<compile_context>
chip_gen: v7x
topology: tpu7x:2x2x1
jax: 0.10.2.dev20260603
libtpu: 0.0.44.dev20260713+nightly
codegen_flags: <defaults>
</compile_context>

<pallas_src>
import functools

import jax
import jax.numpy as jnp
from jax import lax
from jax.experimental import pallas as pl
from jax.experimental.pallas import tpu as pltpu
from jax.experimental.pallas import tpu_sc as plsc

N_SEG = 10000
ACC_ROWS = 10240
D = 128
NC = 2
NS = 16
LANES = 16

CHUNK = 128
TAIL = 10000 - (10000 // CHUNK) * CHUNK


def _sc_partials(data, ids):
    n_edges = data.shape[0]
    per_worker = n_edges // (NC * NS)
    n_chunks = per_worker // CHUNK
    stripe = ACC_ROWS // NS

    mesh = plsc.VectorSubcoreMesh(
        core_axis_name="c", subcore_axis_name="s",
        num_cores=NC, num_subcores=NS)

    @functools.partial(
        pl.kernel,
        out_type=jax.ShapeDtypeStruct((NC, ACC_ROWS, D), jnp.float32),
        mesh=mesh,
        scratch_types=[
            pltpu.VMEM_SHARED((ACC_ROWS, D), jnp.float32),
            pltpu.VMEM((CHUNK, D), jnp.float32),
            pltpu.VMEM((CHUNK, D), jnp.float32),
            pltpu.VMEM((TAIL, D), jnp.float32),
            pltpu.VMEM((CHUNK,), jnp.int32),
            pltpu.VMEM((CHUNK,), jnp.int32),
            pltpu.VMEM((TAIL,), jnp.int32),
            pltpu.VMEM((32, D), jnp.float32),
            pltpu.SemaphoreType.DMA,
            pltpu.SemaphoreType.DMA,
            pltpu.SemaphoreType.DMA,
            pltpu.SemaphoreType.DMA,
            pltpu.SemaphoreType.DMA,
            pltpu.SemaphoreType.DMA,
            pltpu.SemaphoreType.DMA,
        ],
    )
    def k(data_hbm, ids_hbm, part_hbm, acc,
          buf_a, buf_b, buf_t, idx_a, idx_b, idx_t, zbuf,
          sda, sdb, sia, sib, ssa, ssb, sst):
        cid = lax.axis_index("c")
        sid = lax.axis_index("s")
        base = (cid * NS + sid) * per_worker
        tail_off = base + n_chunks * CHUNK

        def fetch(kk, buf, idx, sd, si):
            off = base + kk * CHUNK
            pltpu.async_copy(data_hbm.at[pl.ds(off, CHUNK), :], buf, sd)
            pltpu.async_copy(ids_hbm.at[pl.ds(off, CHUNK)], idx, si)

        pltpu.async_copy(data_hbm.at[pl.ds(tail_off, TAIL), :], buf_t, sst)
        fetch(0, buf_a, idx_a, sda, sia)
        fetch(1, buf_b, idx_b, sdb, sib)

        zeros16 = jnp.zeros((LANES,), jnp.float32)

        def zstore(r, carry):
            for j in range(D // LANES):
                zbuf[r, pl.ds(j * LANES, LANES)] = zeros16
            return carry
        lax.fori_loop(0, 32, zstore, 0)
        for r in range(stripe // 32):
            pltpu.async_copy(
                zbuf, acc.at[pl.ds(sid * stripe + r * 32, 32), :], ssa)
        for r in range(stripe // 32):
            pltpu.make_async_copy(
                zbuf, acc.at[pl.ds(sid * stripe, 32), :], ssa).wait()

        def wait_fetch(buf, idx, sd, si):
            pltpu.make_async_copy(data_hbm.at[pl.ds(base, CHUNK), :], buf, sd).wait()
            pltpu.make_async_copy(ids_hbm.at[pl.ds(base, CHUNK)], idx, si).wait()

        def scatter(buf, idx, ss):
            pltpu.async_copy(buf, acc.at[idx], ss, add=True)
            pltpu.make_async_copy(buf, acc.at[idx], ss).wait()

        plsc.subcore_barrier()

        def pair_body(t, carry):
            kk = 2 * t
            wait_fetch(buf_a, idx_a, sda, sia)
            scatter(buf_a, idx_a, ssa)

            @pl.when(kk + 2 < n_chunks)
            def _():
                fetch(kk + 2, buf_a, idx_a, sda, sia)

            wait_fetch(buf_b, idx_b, sdb, sib)
            scatter(buf_b, idx_b, ssb)

            @pl.when(kk + 3 < n_chunks)
            def _():
                fetch(kk + 3, buf_b, idx_b, sdb, sib)
            return carry
        lax.fori_loop(0, n_chunks // 2, pair_body, 0)

        pltpu.make_async_copy(data_hbm.at[pl.ds(tail_off, TAIL), :], buf_t, sst).wait()
        pltpu.async_copy(ids_hbm.at[pl.ds(tail_off, TAIL)], idx_t, sst)
        pltpu.make_async_copy(ids_hbm.at[pl.ds(tail_off, TAIL)], idx_t, sst).wait()
        scatter(buf_t, idx_t, sst)

        plsc.subcore_barrier()
        pltpu.sync_copy(
            acc.at[pl.ds(sid * stripe, stripe), :],
            part_hbm.at[cid, pl.ds(sid * stripe, stripe), :])

    return k(data, ids)


def _tc_sum(partials):
    def body(p_ref, o_ref):
        o_ref[...] = p_ref[0, :N_SEG] + p_ref[1, :N_SEG]

    return pl.pallas_call(
        body,
        out_shape=jax.ShapeDtypeStruct((N_SEG, D), jnp.float32),
    )(partials)


def kernel(data, segment_ids):
    ids = segment_ids.astype(jnp.int32)
    parts = _sc_partials(data, ids)
    return _tc_sum(parts)

# --- scband reference (transcript-rebuilt; emitter-appended) ---
"""Pipeline reference for scband-batch-aggregator-16088947491445 (READ-ONLY COPY).

The authoritative reference and input builder live on the scoring server;
editing this copy changes nothing except your own understanding.
"""

import jax, jax.numpy as jnp
import numpy as np

N_EDGES = 320000
D_FEAT = 128
N_SEGMENTS = 10000

def setup_inputs(seed: int = 0) -> dict:
    key = jax.random.key(seed)
    k1, k2 = jax.random.split(key)
    data = jax.random.normal(k1, (N_EDGES, D_FEAT), dtype=jnp.float32)
    segment_ids = jnp.sort(jax.random.randint(k2, (N_EDGES,), 0, N_SEGMENTS, dtype=jnp.int64))
    return {"data": data, "segment_ids": segment_ids}

def reference(data, segment_ids):
    # _BatchAggregator with aggregation='add' -> torch_scatter.scatter_add over segment ids
    out = jax.ops.segment_sum(data, segment_ids, num_segments=N_SEGMENTS)
    return out

if __name__ == "__main__":
    import jax
    _d = setup_inputs()
    print(jax.jit(kernel)(*tuple(_d.values())))

</pallas_src>

<mosaic_0001>
#map = affine_map<(d0, d1) -> (0, 0)>
#map1 = affine_map<(d0, d1) -> (0)>
#map2 = affine_map<(d0, d1) -> (0, 0, 0)>
module attributes {stable_mosaic.version = 14 : i64} {
  func.func @k(%arg0: i32, %arg1: i32, %arg2: memref<320000x128xf32, #tpu.memory_space<hbm>>, %arg3: memref<320000xi32, #tpu.memory_space<hbm>>, %arg4: memref<2x10240x128xf32, #tpu.memory_space<hbm>>, %arg5: memref<10240x128xf32, #tpu.memory_space<vmem_shared>>, %arg6: memref<128x128xf32, #tpu.memory_space<vmem>>, %arg7: memref<128x128xf32, #tpu.memory_space<vmem>>, %arg8: memref<16x128xf32, #tpu.memory_space<vmem>>, %arg9: memref<128xi32, #tpu.memory_space<vmem>>, %arg10: memref<128xi32, #tpu.memory_space<vmem>>, %arg11: memref<16xi32, #tpu.memory_space<vmem>>, %arg12: memref<32x128xf32, #tpu.memory_space<vmem>>, %arg13: memref<!tpu.dma_semaphore, #tpu.memory_space<semaphore_mem>>, %arg14: memref<!tpu.dma_semaphore, #tpu.memory_space<semaphore_mem>>, %arg15: memref<!tpu.dma_semaphore, #tpu.memory_space<semaphore_mem>>, %arg16: memref<!tpu.dma_semaphore, #tpu.memory_space<semaphore_mem>>, %arg17: memref<!tpu.dma_semaphore, #tpu.memory_space<semaphore_mem>>, %arg18: memref<!tpu.dma_semaphore, #tpu.memory_space<semaphore_mem>>, %arg19: memref<!tpu.dma_semaphore, #tpu.memory_space<semaphore_mem>>) attributes {dimension_semantics = [#tpu.dimension_semantics<core_parallel>, #tpu.dimension_semantics<subcore_parallel>], iteration_bounds = array<i64: 2, 16>, scalar_prefetch = 0 : i64, scratch_operands = 15 : i64, tpu.core_type = #tpu.core_type<sc_vector_subcore>, window_params = [{transform_indices = #map}, {transform_indices = #map1}, {transform_indices = #map2}]} {
    %mul3A = arith.constant 16 : i32
    %mul3A_0 = arith.muli %arg0, %mul3A : i32
    %add3A = arith.addi %mul3A_0, %arg1 : i32
    %mul3A_1 = arith.constant 10000 : i32
    %mul3A_2 = arith.muli %add3A, %mul3A_1 : i32
    %add3A_3 = arith.constant 9984 : i32
    %add3A_4 = arith.addi %mul3A_2, %add3A_3 : i32
    %dma_start3A = arith.constant 0 : i32
    %dma_start3A_5 = tpu.memref_slice %arg2[%add3A_4, %dma_start3A] : memref<320000x128xf32, #tpu.memory_space<hbm>> -> memref<16x128xf32, #tpu.memory_space<hbm>>
    %dma_start3A_6 = arith.constant 0 : i32
    %dma_start3A_7 = tpu.memref_slice %arg2[%add3A_4, %dma_start3A_6] : memref<320000x128xf32, #tpu.memory_space<hbm>> -> memref<16x128xf32, #tpu.memory_space<hbm>>
    tpu.enqueue_dma source(%dma_start3A_7 : memref<16x128xf32, #tpu.memory_space<hbm>>) target(%arg8 : memref<16x128xf32, #tpu.memory_space<vmem>>) target_semaphore(%arg19 : memref<!tpu.dma_semaphore, #tpu.memory_space<semaphore_mem>>)
    %add3A_8 = arith.constant 0 : i32
    %add3A_9 = arith.addi %mul3A_2, %add3A_8 : i32
    %dma_start3A_10 = arith.constant 0 : i32
    %dma_start3A_11 = tpu.memref_slice %arg2[%add3A_9, %dma_start3A_10] : memref<320000x128xf32, #tpu.memory_space<hbm>> -> memref<128x128xf32, #tpu.memory_space<hbm>>
    %dma_start3A_12 = arith.constant 0 : i32
    %dma_start3A_13 = tpu.memref_slice %arg2[%add3A_9, %dma_start3A_12] : memref<320000x128xf32, #tpu.memory_space<hbm>> -> memref<128x128xf32, #tpu.memory_space<hbm>>
    tpu.enqueue_dma source(%dma_start3A_13 : memref<128x128xf32, #tpu.memory_space<hbm>>) target(%arg6 : memref<128x128xf32, #tpu.memory_space<vmem>>) target_semaphore(%arg13 : memref<!tpu.dma_semaphore, #tpu.memory_space<semaphore_mem>>)
    %dma_start3A_14 = tpu.memref_slice %arg3[%add3A_9] : memref<320000xi32, #tpu.memory_space<hbm>> -> memref<128xi32, #tpu.memory_space<hbm>>
    %dma_start3A_15 = tpu.memref_slice %arg3[%add3A_9] : memref<320000xi32, #tpu.memory_space<hbm>> -> memref<128xi32, #tpu.memory_space<hbm>>
    tpu.enqueue_dma source(%dma_start3A_15 : memref<128xi32, #tpu.memory_space<hbm>>) target(%arg9 : memref<128xi32, #tpu.memory_space<vmem>>) target_semaphore(%arg15 : memref<!tpu.dma_semaphore, #tpu.memory_space<semaphore_mem>>)
    %add3A_16 = arith.constant 128 : i32
    %add3A_17 = arith.addi %mul3A_2, %add3A_16 : i32
    %dma_start3A_18 = arith.constant 0 : i32
    %dma_start3A_19 = tpu.memref_slice %arg2[%add3A_17, %dma_start3A_18] : memref<320000x128xf32, #tpu.memory_space<hbm>> -> memref<128x128xf32, #tpu.memory_space<hbm>>
    %dma_start3A_20 = arith.constant 0 : i32
    %dma_start3A_21 = tpu.memref_slice %arg2[%add3A_17, %dma_start3A_20] : memref<320000x128xf32, #tpu.memory_space<hbm>> -> memref<128x128xf32, #tpu.memory_space<hbm>>
    tpu.enqueue_dma source(%dma_start3A_21 : memref<128x128xf32, #tpu.memory_space<hbm>>) target(%arg7 : memref<128x128xf32, #tpu.memory_space<vmem>>) target_semaphore(%arg14 : memref<!tpu.dma_semaphore, #tpu.memory_space<semaphore_mem>>)
    %dma_start3A_22 = tpu.memref_slice %arg3[%add3A_17] : memref<320000xi32, #tpu.memory_space<hbm>> -> memref<128xi32, #tpu.memory_space<hbm>>
    %dma_start3A_23 = tpu.memref_slice %arg3[%add3A_17] : memref<320000xi32, #tpu.memory_space<hbm>> -> memref<128xi32, #tpu.memory_space<hbm>>
    tpu.enqueue_dma source(%dma_start3A_23 : memref<128xi32, #tpu.memory_space<hbm>>) target(%arg10 : memref<128xi32, #tpu.memory_space<vmem>>) target_semaphore(%arg16 : memref<!tpu.dma_semaphore, #tpu.memory_space<semaphore_mem>>)
    %broadcast_in_dim3A = arith.constant 0.000000e+00 : f32
    %broadcast_in_dim3A_24 = vector.broadcast %broadcast_in_dim3A : f32 to vector<16xf32>
    %scan3A = arith.constant 0 : i32
    %scan3A_25 = arith.constant 0 : i32
    %scan3A_26 = arith.constant 32 : i32
    %scan3A_27 = arith.addi %scan3A_25, %scan3A_26 : i32
    %scan3A_28 = arith.constant 1 : i32
    scf.for %scan3A_334 = %scan3A_25 to %scan3A_27 step %scan3A_28  : i32 {
      %swap3A = arith.index_cast %scan3A_334 : i32 to index
      %swap3A_335 = arith.constant 0 : index
      %swap3A_336 = tpu.vector_load %arg12[%swap3A, %swap3A_335] {strides = array<i32>} : memref<32x128xf32, #tpu.memory_space<vmem>>, vector<1x16xf32>,
      %swap3A_337 = vector.shape_cast %swap3A_336 : vector<1x16xf32> to vector<16xf32>
      %swap3A_338 = vector.shape_cast %broadcast_in_dim3A_24 : vector<16xf32> to vector<1x16xf32>
      tpu.vector_store %arg12[%swap3A, %swap3A_335], %swap3A_338 {strides = array<i32>} : memref<32x128xf32, #tpu.memory_space<vmem>>, vector<1x16xf32>,
      %swap3A_339 = arith.index_cast %scan3A_334 : i32 to index
      %swap3A_340 = arith.constant 16 : index
      %swap3A_341 = tpu.vector_load %arg12[%swap3A_339, %swap3A_340] {strides = array<i32>} : memref<32x128xf32, #tpu.memory_space<vmem>>, vector<1x16xf32>,
      %swap3A_342 = vector.shape_cast %swap3A_341 : vector<1x16xf32> to vector<16xf32>
      %swap3A_343 = vector.shape_cast %broadcast_in_dim3A_24 : vector<16xf32> to vector<1x16xf32>
      tpu.vector_store %arg12[%swap3A_339, %swap3A_340], %swap3A_343 {strides = array<i32>} : memref<32x128xf32, #tpu.memory_space<vmem>>, vector<1x16xf32>,
      %swap3A_344 = arith.index_cast %scan3A_334 : i32 to index
      %swap3A_345 = arith.constant 32 : index
      %swap3A_346 = tpu.vector_load %arg12[%swap3A_344, %swap3A_345] {strides = array<i32>} : memref<32x128xf32, #tpu.memory_space<vmem>>, vector<1x16xf32>,
      %swap3A_347 = vector.shape_cast %swap3A_346 : vector<1x16xf32> to vector<16xf32>
      %swap3A_348 = vector.shape_cast %broadcast_in_dim3A_24 : vector<16xf32> to vector<1x16xf32>
      tpu.vector_store %arg12[%swap3A_344, %swap3A_345], %swap3A_348 {strides = array<i32>} : memref<32x128xf32, #tpu.memory_space<vmem>>, vector<1x16xf32>,
      %swap3A_349 = arith.index_cast %scan3A_334 : i32 to index
      %swap3A_350 = arith.constant 48 : index
      %swap3A_351 = tpu.vector_load %arg12[%swap3A_349, %swap3A_350] {strides = array<i32>} : memref<32x128xf32, #tpu.memory_space<vmem>>, vector<1x16xf32>,
      %swap3A_352 = vector.shape_cast %swap3A_351 : vector<1x16xf32> to vector<16xf32>
      %swap3A_353 = vector.shape_cast %broadcast_in_dim3A_24 : vector<16xf32> to vector<1x16xf32>
      tpu.vector_store %arg12[%swap3A_349, %swap3A_350], %swap3A_353 {strides = array<i32>} : memref<32x128xf32, #tpu.memory_space<vmem>>, vector<1x16xf32>,
      %swap3A_354 = arith.index_cast %scan3A_334 : i32 to index
      %swap3A_355 = arith.constant 64 : index
      %swap3A_356 = tpu.vector_load %arg12[%swap3A_354, %swap3A_355] {strides = array<i32>} : memref<32x128xf32, #tpu.memory_space<vmem>>, vector<1x16xf32>,
      %swap3A_357 = vector.shape_cast %swap3A_356 : vector<1x16xf32> to vector<16xf32>
      %swap3A_358 = vector.shape_cast %broadcast_in_dim3A_24 : vector<16xf32> to vector<1x16xf32>
      tpu.vector_store %arg12[%swap3A_354, %swap3A_355], %swap3A_358 {strides = array<i32>} : memref<32x128xf32, #tpu.memory_space<vmem>>, vector<1x16xf32>,
      %swap3A_359 = arith.index_cast %scan3A_334 : i32 to index
      %swap3A_360 = arith.constant 80 : index
      %swap3A_361 = tpu.vector_load %arg12[%swap3A_359, %swap3A_360] {strides = array<i32>} : memref<32x128xf32, #tpu.memory_space<vmem>>, vector<1x16xf32>,
      %swap3A_362 = vector.shape_cast %swap3A_361 : vector<1x16xf32> to vector<16xf32>
      %swap3A_363 = vector.shape_cast %broadcast_in_dim3A_24 : vector<16xf32> to vector<1x16xf32>
      tpu.vector_store %arg12[%swap3A_359, %swap3A_360], %swap3A_363 {strides = array<i32>} : memref<32x128xf32, #tpu.memory_space<vmem>>, vector<1x16xf32>,
      %swap3A_364 = arith.index_cast %scan3A_334 : i32 to index
      %swap3A_365 = arith.constant 96 : index
      %swap3A_366 = tpu.vector_load %arg12[%swap3A_364, %swap3A_365] {strides = array<i32>} : memref<32x128xf32, #tpu.memory_space<vmem>>, vector<1x16xf32>,
      %swap3A_367 = vector.shape_cast %swap3A_366 : vector<1x16xf32> to vector<16xf32>
      %swap3A_368 = vector.shape_cast %broadcast_in_dim3A_24 : vector<16xf32> to vector<1x16xf32>
      tpu.vector_store %arg12[%swap3A_364, %swap3A_365], %swap3A_368 {strides = array<i32>} : memref<32x128xf32, #tpu.memory_space<vmem>>, vector<1x16xf32>,
      %swap3A_369 = arith.index_cast %scan3A_334 : i32 to index
      %swap3A_370 = arith.constant 112 : index
      %swap3A_371 = tpu.vector_load %arg12[%swap3A_369, %swap3A_370] {strides = array<i32>} : memref<32x128xf32, #tpu.memory_space<vmem>>, vector<1x16xf32>,
      %swap3A_372 = vector.shape_cast %swap3A_371 : vector<1x16xf32> to vector<16xf32>
      %swap3A_373 = vector.shape_cast %broadcast_in_dim3A_24 : vector<16xf32> to vector<1x16xf32>
      tpu.vector_store %arg12[%swap3A_369, %swap3A_370], %swap3A_373 {strides = array<i32>} : memref<32x128xf32, #tpu.memory_space<vmem>>, vector<1x16xf32>,
    }
    %scan3A_29 = arith.constant 32 : i32
    %mul3A_30 = arith.constant 640 : i32
    %mul3A_31 = arith.muli %arg1, %mul3A_30 : i32
    %add3A_32 = arith.constant 0 : i32
    %add3A_33 = arith.addi %mul3A_31, %add3A_32 : i32
    %dma_start3A_34 = arith.constant 0 : i32
    %dma_start3A_35 = tpu.memref_slice %arg5[%add3A_33, %dma_start3A_34] : memref<10240x128xf32, #tpu.memory_space<vmem_shared>> -> memref<32x128xf32, #tpu.memory_space<vmem_shared>>
    %dma_start3A_36 = arith.constant 0 : i32
    %dma_start3A_37 = tpu.memref_slice %arg5[%add3A_33, %dma_start3A_36] : memref<10240x128xf32, #tpu.memory_space<vmem_shared>> -> memref<32x128xf32, #tpu.memory_space<vmem_shared>>
    tpu.enqueue_dma source(%arg12 : memref<32x128xf32, #tpu.memory_space<vmem>>) target(%dma_start3A_37 : memref<32x128xf32, #tpu.memory_space<vmem_shared>>) target_semaphore(%arg17 : memref<!tpu.dma_semaphore, #tpu.memory_space<semaphore_mem>>)
    %mul3A_38 = arith.constant 640 : i32
    %mul3A_39 = arith.muli %arg1, %mul3A_38 : i32
    %add3A_40 = arith.constant 32 : i32
    %add3A_41 = arith.addi %mul3A_39, %add3A_40 : i32
    %dma_start3A_42 = arith.constant 0 : i32
    %dma_start3A_43 = tpu.memref_slice %arg5[%add3A_41, %dma_start3A_42] : memref<10240x128xf32, #tpu.memory_space<vmem_shared>> -> memref<32x128xf32, #tpu.memory_space<vmem_shared>>
    %dma_start3A_44 = arith.constant 0 : i32
    %dma_start3A_45 = tpu.memref_slice %arg5[%add3A_41, %dma_start3A_44] : memref<10240x128xf32, #tpu.memory_space<vmem_shared>> -> memref<32x128xf32, #tpu.memory_space<vmem_shared>>
    tpu.enqueue_dma source(%arg12 : memref<32x128xf32, #tpu.memory_space<vmem>>) target(%dma_start3A_45 : memref<32x128xf32, #tpu.memory_space<vmem_shared>>) target_semaphore(%arg17 : memref<!tpu.dma_semaphore, #tpu.memory_space<semaphore_mem>>)
    %mul3A_46 = arith.constant 640 : i32
    %mul3A_47 = arith.muli %arg1, %mul3A_46 : i32
    %add3A_48 = arith.constant 64 : i32
    %add3A_49 = arith.addi %mul3A_47, %add3A_48 : i32
    %dma_start3A_50 = arith.constant 0 : i32
    %dma_start3A_51 = tpu.memref_slice %arg5[%add3A_49, %dma_start3A_50] : memref<10240x128xf32, #tpu.memory_space<vmem_shared>> -> memref<32x128xf32, #tpu.memory_space<vmem_shared>>
    %dma_start3A_52 = arith.constant 0 : i32
    %dma_start3A_53 = tpu.memref_slice %arg5[%add3A_49, %dma_start3A_52] : memref<10240x128xf32, #tpu.memory_space<vmem_shared>> -> memref<32x128xf32, #tpu.memory_space<vmem_shared>>
    tpu.enqueue_dma source(%arg12 : memref<32x128xf32, #tpu.memory_space<vmem>>) target(%dma_start3A_53 : memref<32x128xf32, #tpu.memory_space<vmem_shared>>) target_semaphore(%arg17 : memref<!tpu.dma_semaphore, #tpu.memory_space<semaphore_mem>>)
    %mul3A_54 = arith.constant 640 : i32
    %mul3A_55 = arith.muli %arg1, %mul3A_54 : i32
    %add3A_56 = arith.constant 96 : i32
    %add3A_57 = arith.addi %mul3A_55, %add3A_56 : i32
    %dma_start3A_58 = arith.constant 0 : i32
    %dma_start3A_59 = tpu.memref_slice %arg5[%add3A_57, %dma_start3A_58] : memref<10240x128xf32, #tpu.memory_space<vmem_shared>> -> memref<32x128xf32, #tpu.memory_space<vmem_shared>>
    %dma_start3A_60 = arith.constant 0 : i32
    %dma_start3A_61 = tpu.memref_slice %arg5[%add3A_57, %dma_start3A_60] : memref<10240x128xf32, #tpu.memory_space<vmem_shared>> -> memref<32x128xf32, #tpu.memory_space<vmem_shared>>
    tpu.enqueue_dma source(%arg12 : memref<32x128xf32, #tpu.memory_space<vmem>>) target(%dma_start3A_61 : memref<32x128xf32, #tpu.memory_space<vmem_shared>>) target_semaphore(%arg17 : memref<!tpu.dma_semaphore, #tpu.memory_space<semaphore_mem>>)
    %mul3A_62 = arith.constant 640 : i32
    %mul3A_63 = arith.muli %arg1, %mul3A_62 : i32
    %add3A_64 = arith.constant 128 : i32
    %add3A_65 = arith.addi %mul3A_63, %add3A_64 : i32
    %dma_start3A_66 = arith.constant 0 : i32
    %dma_start3A_67 = tpu.memref_slice %arg5[%add3A_65, %dma_start3A_66] : memref<10240x128xf32, #tpu.memory_space<vmem_shared>> -> memref<32x128xf32, #tpu.memory_space<vmem_shared>>
    %dma_start3A_68 = arith.constant 0 : i32
    %dma_start3A_69 = tpu.memref_slice %arg5[%add3A_65, %dma_start3A_68] : memref<10240x128xf32, #tpu.memory_space<vmem_shared>> -> memref<32x128xf32, #tpu.memory_space<vmem_shared>>
    tpu.enqueue_dma source(%arg12 : memref<32x128xf32, #tpu.memory_space<vmem>>) target(%dma_start3A_69 : memref<32x128xf32, #tpu.memory_space<vmem_shared>>) target_semaphore(%arg17 : memref<!tpu.dma_semaphore, #tpu.memory_space<semaphore_mem>>)
    %mul3A_70 = arith.constant 640 : i32
    %mul3A_71 = arith.muli %arg1, %mul3A_70 : i32
    %add3A_72 = arith.constant 160 : i32
    %add3A_73 = arith.addi %mul3A_71, %add3A_72 : i32
    %dma_start3A_74 = arith.constant 0 : i32
    %dma_start3A_75 = tpu.memref_slice %arg5[%add3A_73, %dma_start3A_74] : memref<10240x128xf32, #tpu.memory_space<vmem_shared>> -> memref<32x128xf32, #tpu.memory_space<vmem_shared>>
    %dma_start3A_76 = arith.constant 0 : i32
    %dma_start3A_77 = tpu.memref_slice %arg5[%add3A_73, %dma_start3A_76] : memref<10240x128xf32, #tpu.memory_space<vmem_shared>> -> memref<32x128xf32, #tpu.memory_space<vmem_shared>>
    tpu.enqueue_dma source(%arg12 : memref<32x128xf32, #tpu.memory_space<vmem>>) target(%dma_start3A_77 : memref<32x128xf32, #tpu.memory_space<vmem_shared>>) target_semaphore(%arg17 : memref<!tpu.dma_semaphore, #tpu.memory_space<semaphore_mem>>)
    %mul3A_78 = arith.constant 640 : i32
    %mul3A_79 = arith.muli %arg1, %mul3A_78 : i32
    %add3A_80 = arith.constant 192 : i32
    %add3A_81 = arith.addi %mul3A_79, %add3A_80 : i32
    %dma_start3A_82 = arith.constant 0 : i32
    %dma_start3A_83 = tpu.memref_slice %arg5[%add3A_81, %dma_start3A_82] : memref<10240x128xf32, #tpu.memory_space<vmem_shared>> -> memref<32x128xf32, #tpu.memory_space<vmem_shared>>
    %dma_start3A_84 = arith.constant 0 : i32
    %dma_start3A_85 = tpu.memref_slice %arg5[%add3A_81, %dma_start3A_84] : memref<10240x128xf32, #tpu.memory_space<vmem_shared>> -> memref<32x128xf32, #tpu.memory_space<vmem_shared>>
    tpu.enqueue_dma source(%arg12 : memref<32x128xf32, #tpu.memory_space<vmem>>) target(%dma_start3A_85 : memref<32x128xf32, #tpu.memory_space<vmem_shared>>) target_semaphore(%arg17 : memref<!tpu.dma_semaphore, #tpu.memory_space<semaphore_mem>>)
    %mul3A_86 = arith.constant 640 : i32
    %mul3A_87 = arith.muli %arg1, %mul3A_86 : i32
    %add3A_88 = arith.constant 224 : i32
    %add3A_89 = arith.addi %mul3A_87, %add3A_88 : i32
    %dma_start3A_90 = arith.constant 0 : i32
    %dma_start3A_91 = tpu.memref_slice %arg5[%add3A_89, %dma_start3A_90] : memref<10240x128xf32, #tpu.memory_space<vmem_shared>> -> memref<32x128xf32, #tpu.memory_space<vmem_shared>>
    %dma_start3A_92 = arith.constant 0 : i32
    %dma_start3A_93 = tpu.memref_slice %arg5[%add3A_89, %dma_start3A_92] : memref<10240x128xf32, #tpu.memory_space<vmem_shared>> -> memref<32x128xf32, #tpu.memory_space<vmem_shared>>
    tpu.enqueue_dma source(%arg12 : memref<32x128xf32, #tpu.memory_space<vmem>>) target(%dma_start3A_93 : memref<32x128xf32, #tpu.memory_space<vmem_shared>>) target_semaphore(%arg17 : memref<!tpu.dma_semaphore, #tpu.memory_space<semaphore_mem>>)
    %mul3A_94 = arith.constant 640 : i32
    %mul3A_95 = arith.muli %arg1, %mul3A_94 : i32
    %add3A_96 = arith.constant 256 : i32
    %add3A_97 = arith.addi %mul3A_95, %add3A_96 : i32
    %dma_start3A_98 = arith.constant 0 : i32
    %dma_start3A_99 = tpu.memref_slice %arg5[%add3A_97, %dma_start3A_98] : memref<10240x128xf32, #tpu.memory_space<vmem_shared>> -> memref<32x128xf32, #tpu.memory_space<vmem_shared>>
    %dma_start3A_100 = arith.constant 0 : i32
    %dma_start3A_101 = tpu.memref_slice %arg5[%add3A_97, %dma_start3A_100] : memref<10240x128xf32, #tpu.memory_space<vmem_shared>> -> memref<32x128xf32, #tpu.memory_space<vmem_shared>>
    tpu.enqueue_dma source(%arg12 : memref<32x128xf32, #tpu.memory_space<vmem>>) target(%dma_start3A_101 : memref<32x128xf32, #tpu.memory_space<vmem_shared>>) target_semaphore(%arg17 : memref<!tpu.dma_semaphore, #tpu.memory_space<semaphore_mem>>)
    %mul3A_102 = arith.constant 640 : i32
    %mul3A_103 = arith.muli %arg1, %mul3A_102 : i32
    %add3A_104 = arith.constant 288 : i32
    %add3A_105 = arith.addi %mul3A_103, %add3A_104 : i32
    %dma_start3A_106 = arith.constant 0 : i32
    %dma_start3A_107 = tpu.memref_slice %arg5[%add3A_105, %dma_start3A_106] : memref<10240x128xf32, #tpu.memory_space<vmem_shared>> -> memref<32x128xf32, #tpu.memory_space<vmem_shared>>
    %dma_start3A_108 = arith.constant 0 : i32
    %dma_start3A_109 = tpu.memref_slice %arg5[%add3A_105, %dma_start3A_108] : memref<10240x128xf32, #tpu.memory_space<vmem_shared>> -> memref<32x128xf32, #tpu.memory_space<vmem_shared>>
    tpu.enqueue_dma source(%arg12 : memref<32x128xf32, #tpu.memory_space<vmem>>) target(%dma_start3A_109 : memref<32x128xf32, #tpu.memory_space<vmem_shared>>) target_semaphore(%arg17 : memref<!tpu.dma_semaphore, #tpu.memory_space<semaphore_mem>>)
    %mul3A_110 = arith.constant 640 : i32
    %mul3A_111 = arith.muli %arg1, %mul3A_110 : i32
    %add3A_112 = arith.constant 320 : i32
    %add3A_113 = arith.addi %mul3A_111, %add3A_112 : i32
    %dma_start3A_114 = arith.constant 0 : i32
    %dma_start3A_115 = tpu.memref_slice %arg5[%add3A_113, %dma_start3A_114] : memref<10240x128xf32, #tpu.memory_space<vmem_shared>> -> memref<32x128xf32, #tpu.memory_space<vmem_shared>>
    %dma_start3A_116 = arith.constant 0 : i32
    %dma_start3A_117 = tpu.memref_slice %arg5[%add3A_113, %dma_start3A_116] : memref<10240x128xf32, #tpu.memory_space<vmem_shared>> -> memref<32x128xf32, #tpu.memory_space<vmem_shared>>
    tpu.enqueue_dma source(%arg12 : memref<32x128xf32, #tpu.memory_space<vmem>>) target(%dma_start3A_117 : memref<32x128xf32, #tpu.memory_space<vmem_shared>>) target_semaphore(%arg17 : memref<!tpu.dma_semaphore, #tpu.memory_space<semaphore_mem>>)
    %mul3A_118 = arith.constant 640 : i32
    %mul3A_119 = arith.muli %arg1, %mul3A_118 : i32
    %add3A_120 = arith.constant 352 : i32
    %add3A_121 = arith.addi %mul3A_119, %add3A_120 : i32
    %dma_start3A_122 = arith.constant 0 : i32
    %dma_start3A_123 = tpu.memref_slice %arg5[%add3A_121, %dma_start3A_122] : memref<10240x128xf32, #tpu.memory_space<vmem_shared>> -> memref<32x128xf32, #tpu.memory_space<vmem_shared>>
    %dma_start3A_124 = arith.constant 0 : i32
    %dma_start3A_125 = tpu.memref_slice %arg5[%add3A_121, %dma_start3A_124] : memref<10240x128xf32, #tpu.memory_space<vmem_shared>> -> memref<32x128xf32, #tpu.memory_space<vmem_shared>>
    tpu.enqueue_dma source(%arg12 : memref<32x128xf32, #tpu.memory_space<vmem>>) target(%dma_start3A_125 : memref<32x128xf32, #tpu.memory_space<vmem_shared>>) target_semaphore(%arg17 : memref<!tpu.dma_semaphore, #tpu.memory_space<semaphore_mem>>)
    %mul3A_126 = arith.constant 640 : i32
    %mul3A_127 = arith.muli %arg1, %mul3A_126 : i32
    %add3A_128 = arith.constant 384 : i32
    %add3A_129 = arith.addi %mul3A_127, %add3A_128 : i32
    %dma_start3A_130 = arith.constant 0 : i32
    %dma_start3A_131 = tpu.memref_slice %arg5[%add3A_129, %dma_start3A_130] : memref<10240x128xf32, #tpu.memory_space<vmem_shared>> -> memref<32x128xf32, #tpu.memory_space<vmem_shared>>
    %dma_start3A_132 = arith.constant 0 : i32
    %dma_start3A_133 = tpu.memref_slice %arg5[%add3A_129, %dma_start3A_132] : memref<10240x128xf32, #tpu.memory_space<vmem_shared>> -> memref<32x128xf32, #tpu.memory_space<vmem_shared>>
    tpu.enqueue_dma source(%arg12 : memref<32x128xf32, #tpu.memory_space<vmem>>) target(%dma_start3A_133 : memref<32x128xf32, #tpu.memory_space<vmem_shared>>) target_semaphore(%arg17 : memref<!tpu.dma_semaphore, #tpu.memory_space<semaphore_mem>>)
    %mul3A_134 = arith.constant 640 : i32
    %mul3A_135 = arith.muli %arg1, %mul3A_134 : i32
    %add3A_136 = arith.constant 416 : i32
    %add3A_137 = arith.addi %mul3A_135, %add3A_136 : i32
    %dma_start3A_138 = arith.constant 0 : i32
    %dma_start3A_139 = tpu.memref_slice %arg5[%add3A_137, %dma_start3A_138] : memref<10240x128xf32, #tpu.memory_space<vmem_shared>> -> memref<32x128xf32, #tpu.memory_space<vmem_shared>>
    %dma_start3A_140 = arith.constant 0 : i32
    %dma_start3A_141 = tpu.memref_slice %arg5[%add3A_137, %dma_start3A_140] : memref<10240x128xf32, #tpu.memory_space<vmem_shared>> -> memref<32x128xf32, #tpu.memory_space<vmem_shared>>
    tpu.enqueue_dma source(%arg12 : memref<32x128xf32, #tpu.memory_space<vmem>>) target(%dma_start3A_141 : memref<32x128xf32, #tpu.memory_space<vmem_shared>>) target_semaphore(%arg17 : memref<!tpu.dma_semaphore, #tpu.memory_space<semaphore_mem>>)
    %mul3A_142 = arith.constant 640 : i32
    %mul3A_143 = arith.muli %arg1, %mul3A_142 : i32
    %add3A_144 = arith.constant 448 : i32
    %add3A_145 = arith.addi %mul3A_143, %add3A_144 : i32
    %dma_start3A_146 = arith.constant 0 : i32
    %dma_start3A_147 = tpu.memref_slice %arg5[%add3A_145, %dma_start3A_146] : memref<10240x128xf32, #tpu.memory_space<vmem_shared>> -> memref<32x128xf32, #tpu.memory_space<vmem_shared>>
    %dma_start3A_148 = arith.constant 0 : i32
    %dma_start3A_149 = tpu.memref_slice %arg5[%add3A_145, %dma_start3A_148] : memref<10240x128xf32, #tpu.memory_space<vmem_shared>> -> memref<32x128xf32, #tpu.memory_space<vmem_shared>>
    tpu.enqueue_dma source(%arg12 : memref<32x128xf32, #tpu.memory_space<vmem>>) target(%dma_start3A_149 : memref<32x128xf32, #tpu.memory_space<vmem_shared>>) target_semaphore(%arg17 : memref<!tpu.dma_semaphore, #tpu.memory_space<semaphore_mem>>)
    %mul3A_150 = arith.constant 640 : i32
    %mul3A_151 = arith.muli %arg1, %mul3A_150 : i32
    %add3A_152 = arith.constant 480 : i32
    %add3A_153 = arith.addi %mul3A_151, %add3A_152 : i32
    %dma_start3A_154 = arith.constant 0 : i32
    %dma_start3A_155 = tpu.memref_slice %arg5[%add3A_153, %dma_start3A_154] : memref<10240x128xf32, #tpu.memory_space<vmem_shared>> -> memref<32x128xf32, #tpu.memory_space<vmem_shared>>
    %dma_start3A_156 = arith.constant 0 : i32
    %dma_start3A_157 = tpu.memref_slice %arg5[%add3A_153, %dma_start3A_156] : memref<10240x128xf32, #tpu.memory_space<vmem_shared>> -> memref<32x128xf32, #tpu.memory_space<vmem_shared>>
    tpu.enqueue_dma source(%arg12 : memref<32x128xf32, #tpu.memory_space<vmem>>) target(%dma_start3A_157 : memref<32x128xf32, #tpu.memory_space<vmem_shared>>) target_semaphore(%arg17 : memref<!tpu.dma_semaphore, #tpu.memory_space<semaphore_mem>>)
    %mul3A_158 = arith.constant 640 : i32
    %mul3A_159 = arith.muli %arg1, %mul3A_158 : i32
    %add3A_160 = arith.constant 512 : i32
    %add3A_161 = arith.addi %mul3A_159, %add3A_160 : i32
    %dma_start3A_162 = arith.constant 0 : i32
    %dma_start3A_163 = tpu.memref_slice %arg5[%add3A_161, %dma_start3A_162] : memref<10240x128xf32, #tpu.memory_space<vmem_shared>> -> memref<32x128xf32, #tpu.memory_space<vmem_shared>>
    %dma_start3A_164 = arith.constant 0 : i32
    %dma_start3A_165 = tpu.memref_slice %arg5[%add3A_161, %dma_start3A_164] : memref<10240x128xf32, #tpu.memory_space<vmem_shared>> -> memref<32x128xf32, #tpu.memory_space<vmem_shared>>
    tpu.enqueue_dma source(%arg12 : memref<32x128xf32, #tpu.memory_space<vmem>>) target(%dma_start3A_165 : memref<32x128xf32, #tpu.memory_space<vmem_shared>>) target_semaphore(%arg17 : memref<!tpu.dma_semaphore, #tpu.memory_space<semaphore_mem>>)
    %mul3A_166 = arith.constant 640 : i32
    %mul3A_167 = arith.muli %arg1, %mul3A_166 : i32
    %add3A_168 = arith.constant 544 : i32
    %add3A_169 = arith.addi %mul3A_167, %add3A_168 : i32
    %dma_start3A_170 = arith.constant 0 : i32
    %dma_start3A_171 = tpu.memref_slice %arg5[%add3A_169, %dma_start3A_170] : memref<10240x128xf32, #tpu.memory_space<vmem_shared>> -> memref<32x128xf32, #tpu.memory_space<vmem_shared>>
    %dma_start3A_172 = arith.constant 0 : i32
    %dma_start3A_173 = tpu.memref_slice %arg5[%add3A_169, %dma_start3A_172] : memref<10240x128xf32, #tpu.memory_space<vmem_shared>> -> memref<32x128xf32, #tpu.memory_space<vmem_shared>>
    tpu.enqueue_dma source(%arg12 : memref<32x128xf32, #tpu.memory_space<vmem>>) target(%dma_start3A_173 : memref<32x128xf32, #tpu.memory_space<vmem_shared>>) target_semaphore(%arg17 : memref<!tpu.dma_semaphore, #tpu.memory_space<semaphore_mem>>)
    %mul3A_174 = arith.constant 640 : i32
    %mul3A_175 = arith.muli %arg1, %mul3A_174 : i32
    %add3A_176 = arith.constant 576 : i32
    %add3A_177 = arith.addi %mul3A_175, %add3A_176 : i32
    %dma_start3A_178 = arith.constant 0 : i32
    %dma_start3A_179 = tpu.memref_slice %arg5[%add3A_177, %dma_start3A_178] : memref<10240x128xf32, #tpu.memory_space<vmem_shared>> -> memref<32x128xf32, #tpu.memory_space<vmem_shared>>
    %dma_start3A_180 = arith.constant 0 : i32
    %dma_start3A_181 = tpu.memref_slice %arg5[%add3A_177, %dma_start3A_180] : memref<10240x128xf32, #tpu.memory_space<vmem_shared>> -> memref<32x128xf32, #tpu.memory_space<vmem_shared>>
    tpu.enqueue_dma source(%arg12 : memref<32x128xf32, #tpu.memory_space<vmem>>) target(%dma_start3A_181 : memref<32x128xf32, #tpu.memory_space<vmem_shared>>) target_semaphore(%arg17 : memref<!tpu.dma_semaphore, #tpu.memory_space<semaphore_mem>>)
    %mul3A_182 = arith.constant 640 : i32
    %mul3A_183 = arith.muli %arg1, %mul3A_182 : i32
    %add3A_184 = arith.constant 608 : i32
    %add3A_185 = arith.addi %mul3A_183, %add3A_184 : i32
    %dma_start3A_186 = arith.constant 0 : i32
    %dma_start3A_187 = tpu.memref_slice %arg5[%add3A_185, %dma_start3A_186] : memref<10240x128xf32, #tpu.memory_space<vmem_shared>> -> memref<32x128xf32, #tpu.memory_space<vmem_shared>>
    %dma_start3A_188 = arith.constant 0 : i32
    %dma_start3A_189 = tpu.memref_slice %arg5[%add3A_185, %dma_start3A_188] : memref<10240x128xf32, #tpu.memory_space<vmem_shared>> -> memref<32x128xf32, #tpu.memory_space<vmem_shared>>
    tpu.enqueue_dma source(%arg12 : memref<32x128xf32, #tpu.memory_space<vmem>>) target(%dma_start3A_189 : memref<32x128xf32, #tpu.memory_space<vmem_shared>>) target_semaphore(%arg17 : memref<!tpu.dma_semaphore, #tpu.memory_space<semaphore_mem>>)
    %mul3A_190 = arith.constant 640 : i32
    %mul3A_191 = arith.muli %arg1, %mul3A_190 : i32
    %dma_wait3A = arith.constant 0 : i32
    %dma_wait3A_192 = tpu.memref_slice %arg5[%mul3A_191, %dma_wait3A] : memref<10240x128xf32, #tpu.memory_space<vmem_shared>> -> memref<32x128xf32, #tpu.memory_space<vmem_shared>>
    %dma_wait3A_193 = arith.constant 0 : i32
    %dma_wait3A_194 = tpu.memref_slice %arg5[%mul3A_191, %dma_wait3A_193] : memref<10240x128xf32, #tpu.memory_space<vmem_shared>> -> memref<32x128xf32, #tpu.memory_space<vmem_shared>>
    tpu.wait_dma2 semaphore(%arg17 : memref<!tpu.dma_semaphore, #tpu.memory_space<semaphore_mem>>) src(%arg12 : memref<32x128xf32, #tpu.memory_space<vmem>>) dst(%dma_wait3A_194 : memref<32x128xf32, #tpu.memory_space<vmem_shared>>)
    %mul3A_195 = arith.constant 640 : i32
    %mul3A_196 = arith.muli %arg1, %mul3A_195 : i32
    %dma_wait3A_197 = arith.constant 0 : i32
    %dma_wait3A_198 = tpu.memref_slice %arg5[%mul3A_196, %dma_wait3A_197] : memref<10240x128xf32, #tpu.memory_space<vmem_shared>> -> memref<32x128xf32, #tpu.memory_space<vmem_shared>>
    %dma_wait3A_199 = arith.constant 0 : i32
    %dma_wait3A_200 = tpu.memref_slice %arg5[%mul3A_196, %dma_wait3A_199] : memref<10240x128xf32, #tpu.memory_space<vmem_shared>> -> memref<32x128xf32, #tpu.memory_space<vmem_shared>>
    tpu.wait_dma2 semaphore(%arg17 : memref<!tpu.dma_semaphore, #tpu.memory_space<semaphore_mem>>) src(%arg12 : memref<32x128xf32, #tpu.memory_space<vmem>>) dst(%dma_wait3A_200 : memref<32x128xf32, #tpu.memory_space<vmem_shared>>)
    %mul3A_201 = arith.constant 640 : i32
    %mul3A_202 = arith.muli %arg1, %mul3A_201 : i32
    %dma_wait3A_203 = arith.constant 0 : i32
    %dma_wait3A_204 = tpu.memref_slice %arg5[%mul3A_202, %dma_wait3A_203] : memref<10240x128xf32, #tpu.memory_space<vmem_shared>> -> memref<32x128xf32, #tpu.memory_space<vmem_shared>>
    %dma_wait3A_205 = arith.constant 0 : i32
    %dma_wait3A_206 = tpu.memref_slice %arg5[%mul3A_202, %dma_wait3A_205] : memref<10240x128xf32, #tpu.memory_space<vmem_shared>> -> memref<32x128xf32, #tpu.memory_space<vmem_shared>>
    tpu.wait_dma2 semaphore(%arg17 : memref<!tpu.dma_semaphore, #tpu.memory_space<semaphore_mem>>) src(%arg12 : memref<32x128xf32, #tpu.memory_space<vmem>>) dst(%dma_wait3A_206 : memref<32x128xf32, #tpu.memory_space<vmem_shared>>)
    %mul3A_207 = arith.constant 640 : i32
    %mul3A_208 = arith.muli %arg1, %mul3A_207 : i32
    %dma_wait3A_209 = arith.constant 0 : i32
    %dma_wait3A_210 = tpu.memref_slice %arg5[%mul3A_208, %dma_wait3A_209] : memref<10240x128xf32, #tpu.memory_space<vmem_shared>> -> memref<32x128xf32, #tpu.memory_space<vmem_shared>>
    %dma_wait3A_211 = arith.constant 0 : i32
    %dma_wait3A_212 = tpu.memref_slice %arg5[%mul3A_208, %dma_wait3A_211] : memref<10240x128xf32, #tpu.memory_space<vmem_shared>> -> memref<32x128xf32, #tpu.memory_space<vmem_shared>>
    tpu.wait_dma2 semaphore(%arg17 : memref<!tpu.dma_semaphore, #tpu.memory_space<semaphore_mem>>) src(%arg12 : memref<32x128xf32, #tpu.memory_space<vmem>>) dst(%dma_wait3A_212 : memref<32x128xf32, #tpu.memory_space<vmem_shared>>)
    %mul3A_213 = arith.constant 640 : i32
    %mul3A_214 = arith.muli %arg1, %mul3A_213 : i32
    %dma_wait3A_215 = arith.constant 0 : i32
    %dma_wait3A_216 = tpu.memref_slice %arg5[%mul3A_214, %dma_wait3A_215] : memref<10240x128xf32, #tpu.memory_space<vmem_shared>> -> memref<32x128xf32, #tpu.memory_space<vmem_shared>>
    %dma_wait3A_217 = arith.constant 0 : i32
    %dma_wait3A_218 = tpu.memref_slice %arg5[%mul3A_214, %dma_wait3A_217] : memref<10240x128xf32, #tpu.memory_space<vmem_shared>> -> memref<32x128xf32, #tpu.memory_space<vmem_shared>>
    tpu.wait_dma2 semaphore(%arg17 : memref<!tpu.dma_semaphore, #tpu.memory_space<semaphore_mem>>) src(%arg12 : memref<32x128xf32, #tpu.memory_space<vmem>>) dst(%dma_wait3A_218 : memref<32x128xf32, #tpu.memory_space<vmem_shared>>)
    %mul3A_219 = arith.constant 640 : i32
    %mul3A_220 = arith.muli %arg1, %mul3A_219 : i32
    %dma_wait3A_221 = arith.constant 0 : i32
    %dma_wait3A_222 = tpu.memref_slice %arg5[%mul3A_220, %dma_wait3A_221] : memref<10240x128xf32, #tpu.memory_space<vmem_shared>> -> memref<32x128xf32, #tpu.memory_space<vmem_shared>>
    %dma_wait3A_223 = arith.constant 0 : i32
    %dma_wait3A_224 = tpu.memref_slice %arg5[%mul3A_220, %dma_wait3A_223] : memref<10240x128xf32, #tpu.memory_space<vmem_shared>> -> memref<32x128xf32, #tpu.memory_space<vmem_shared>>
    tpu.wait_dma2 semaphore(%arg17 : memref<!tpu.dma_semaphore, #tpu.memory_space<semaphore_mem>>) src(%arg12 : memref<32x128xf32, #tpu.memory_space<vmem>>) dst(%dma_wait3A_224 : memref<32x128xf32, #tpu.memory_space<vmem_shared>>)
    %mul3A_225 = arith.constant 640 : i32
    %mul3A_226 = arith.muli %arg1, %mul3A_225 : i32
    %dma_wait3A_227 = arith.constant 0 : i32
    %dma_wait3A_228 = tpu.memref_slice %arg5[%mul3A_226, %dma_wait3A_227] : memref<10240x128xf32, #tpu.memory_space<vmem_shared>> -> memref<32x128xf32, #tpu.memory_space<vmem_shared>>
    %dma_wait3A_229 = arith.constant 0 : i32
    %dma_wait3A_230 = tpu.memref_slice %arg5[%mul3A_226, %dma_wait3A_229] : memref<10240x128xf32, #tpu.memory_space<vmem_shared>> -> memref<32x128xf32, #tpu.memory_space<vmem_shared>>
    tpu.wait_dma2 semaphore(%arg17 : memref<!tpu.dma_semaphore, #tpu.memory_space<semaphore_mem>>) src(%arg12 : memref<32x128xf32, #tpu.memory_space<vmem>>) dst(%dma_wait3A_230 : memref<32x128xf32, #tpu.memory_space<vmem_shared>>)
    %mul3A_231 = arith.constant 640 : i32
    %mul3A_232 = arith.muli %arg1, %mul3A_231 : i32
    %dma_wait3A_233 = arith.constant 0 : i32
    %dma_wait3A_234 = tpu.memref_slice %arg5[%mul3A_232, %dma_wait3A_233] : memref<10240x128xf32, #tpu.memory_space<vmem_shared>> -> memref<32x128xf32, #tpu.memory_space<vmem_shared>>
    %dma_wait3A_235 = arith.constant 0 : i32
    %dma_wait3A_236 = tpu.memref_slice %arg5[%mul3A_232, %dma_wait3A_235] : memref<10240x128xf32, #tpu.memory_space<vmem_shared>> -> memref<32x128xf32, #tpu.memory_space<vmem_shared>>
    tpu.wait_dma2 semaphore(%arg17 : memref<!tpu.dma_semaphore, #tpu.memory_space<semaphore_mem>>) src(%arg12 : memref<32x128xf32, #tpu.memory_space<vmem>>) dst(%dma_wait3A_236 : memref<32x128xf32, #tpu.memory_space<vmem_shared>>)
    %mul3A_237 = arith.constant 640 : i32
    %mul3A_238 = arith.muli %arg1, %mul3A_237 : i32
    %dma_wait3A_239 = arith.constant 0 : i32
    %dma_wait3A_240 = tpu.memref_slice %arg5[%mul3A_238, %dma_wait3A_239] : memref<10240x128xf32, #tpu.memory_space<vmem_shared>> -> memref<32x128xf32, #tpu.memory_space<vmem_shared>>
    %dma_wait3A_241 = arith.constant 0 : i32
    %dma_wait3A_242 = tpu.memref_slice %arg5[%mul3A_238, %dma_wait3A_241] : memref<10240x128xf32, #tpu.memory_space<vmem_shared>> -> memref<32x128xf32, #tpu.memory_space<vmem_shared>>
    tpu.wait_dma2 semaphore(%arg17 : memref<!tpu.dma_semaphore, #tpu.memory_space<semaphore_mem>>) src(%arg12 : memref<32x128xf32, #tpu.memory_space<vmem>>) dst(%dma_wait3A_242 : memref<32x128xf32, #tpu.memory_space<vmem_shared>>)
    %mul3A_243 = arith.constant 640 : i32
    %mul3A_244 = arith.muli %arg1, %mul3A_243 : i32
    %dma_wait3A_245 = arith.constant 0 : i32
    %dma_wait3A_246 = tpu.memref_slice %arg5[%mul3A_244, %dma_wait3A_245] : memref<10240x128xf32, #tpu.memory_space<vmem_shared>> -> memref<32x128xf32, #tpu.memory_space<vmem_shared>>
    %dma_wait3A_247 = arith.constant 0 : i32
    %dma_wait3A_248 = tpu.memref_slice %arg5[%mul3A_244, %dma_wait3A_247] : memref<10240x128xf32, #tpu.memory_space<vmem_shared>> -> memref<32x128xf32, #tpu.memory_space<vmem_shared>>
    tpu.wait_dma2 semaphore(%arg17 : memref<!tpu.dma_semaphore, #tpu.memory_space<semaphore_mem>>) src(%arg12 : memref<32x128xf32, #tpu.memory_space<vmem>>) dst(%dma_wait3A_248 : memref<32x128xf32, #tpu.memory_space<vmem_shared>>)
    %mul3A_249 = arith.constant 640 : i32
    %mul3A_250 = arith.muli %arg1, %mul3A_249 : i32
    %dma_wait3A_251 = arith.constant 0 : i32
    %dma_wait3A_252 = tpu.memref_slice %arg5[%mul3A_250, %dma_wait3A_251] : memref<10240x128xf32, #tpu.memory_space<vmem_shared>> -> memref<32x128xf32, #tpu.memory_space<vmem_shared>>
    %dma_wait3A_253 = arith.constant 0 : i32
    %dma_wait3A_254 = tpu.memref_slice %arg5[%mul3A_250, %dma_wait3A_253] : memref<10240x128xf32, #tpu.memory_space<vmem_shared>> -> memref<32x128xf32, #tpu.memory_space<vmem_shared>>
    tpu.wait_dma2 semaphore(%arg17 : memref<!tpu.dma_semaphore, #tpu.memory_space<semaphore_mem>>) src(%arg12 : memref<32x128xf32, #tpu.memory_space<vmem>>) dst(%dma_wait3A_254 : memref<32x128xf32, #tpu.memory_space<vmem_shared>>)
    %mul3A_255 = arith.constant 640 : i32
    %mul3A_256 = arith.muli %arg1, %mul3A_255 : i32
    %dma_wait3A_257 = arith.constant 0 : i32
    %dma_wait3A_258 = tpu.memref_slice %arg5[%mul3A_256, %dma_wait3A_257] : memref<10240x128xf32, #tpu.memory_space<vmem_shared>> -> memref<32x128xf32, #tpu.memory_space<vmem_shared>>
    %dma_wait3A_259 = arith.constant 0 : i32
    %dma_wait3A_260 = tpu.memref_slice %arg5[%mul3A_256, %dma_wait3A_259] : memref<10240x128xf32, #tpu.memory_space<vmem_shared>> -> memref<32x128xf32, #tpu.memory_space<vmem_shared>>
    tpu.wait_dma2 semaphore(%arg17 : memref<!tpu.dma_semaphore, #tpu.memory_space<semaphore_mem>>) src(%arg12 : memref<32x128xf32, #tpu.memory_space<vmem>>) dst(%dma_wait3A_260 : memref<32x128xf32, #tpu.memory_space<vmem_shared>>)
    %mul3A_261 = arith.constant 640 : i32
    %mul3A_262 = arith.muli %arg1, %mul3A_261 : i32
    %dma_wait3A_263 = arith.constant 0 : i32
    %dma_wait3A_264 = tpu.memref_slice %arg5[%mul3A_262, %dma_wait3A_263] : memref<10240x128xf32, #tpu.memory_space<vmem_shared>> -> memref<32x128xf32, #tpu.memory_space<vmem_shared>>
    %dma_wait3A_265 = arith.constant 0 : i32
    %dma_wait3A_266 = tpu.memref_slice %arg5[%mul3A_262, %dma_wait3A_265] : memref<10240x128xf32, #tpu.memory_space<vmem_shared>> -> memref<32x128xf32, #tpu.memory_space<vmem_shared>>
    tpu.wait_dma2 semaphore(%arg17 : memref<!tpu.dma_semaphore, #tpu.memory_space<semaphore_mem>>) src(%arg12 : memref<32x128xf32, #tpu.memory_space<vmem>>) dst(%dma_wait3A_266 : memref<32x128xf32, #tpu.memory_space<vmem_shared>>)
    %mul3A_267 = arith.constant 640 : i32
    %mul3A_268 = arith.muli %arg1, %mul3A_267 : i32
    %dma_wait3A_269 = arith.constant 0 : i32
    %dma_wait3A_270 = tpu.memref_slice %arg5[%mul3A_268, %dma_wait3A_269] : memref<10240x128xf32, #tpu.memory_space<vmem_shared>> -> memref<32x128xf32, #tpu.memory_space<vmem_shared>>
    %dma_wait3A_271 = arith.constant 0 : i32
    %dma_wait3A_272 = tpu.memref_slice %arg5[%mul3A_268, %dma_wait3A_271] : memref<10240x128xf32, #tpu.memory_space<vmem_shared>> -> memref<32x128xf32, #tpu.memory_space<vmem_shared>>
    tpu.wait_dma2 semaphore(%arg17 : memref<!tpu.dma_semaphore, #tpu.memory_space<semaphore_mem>>) src(%arg12 : memref<32x128xf32, #tpu.memory_space<vmem>>) dst(%dma_wait3A_272 : memref<32x128xf32, #tpu.memory_space<vmem_shared>>)
    %mul3A_273 = arith.constant 640 : i32
    %mul3A_274 = arith.muli %arg1, %mul3A_273 : i32
    %dma_wait3A_275 = arith.constant 0 : i32
    %dma_wait3A_276 = tpu.memref_slice %arg5[%mul3A_274, %dma_wait3A_275] : memref<10240x128xf32, #tpu.memory_space<vmem_shared>> -> memref<32x128xf32, #tpu.memory_space<vmem_shared>>
    %dma_wait3A_277 = arith.constant 0 : i32
    %dma_wait3A_278 = tpu.memref_slice %arg5[%mul3A_274, %dma_wait3A_277] : memref<10240x128xf32, #tpu.memory_space<vmem_shared>> -> memref<32x128xf32, #tpu.memory_space<vmem_shared>>
    tpu.wait_dma2 semaphore(%arg17 : memref<!tpu.dma_semaphore, #tpu.memory_space<semaphore_mem>>) src(%arg12 : memref<32x128xf32, #tpu.memory_space<vmem>>) dst(%dma_wait3A_278 : memref<32x128xf32, #tpu.memory_space<vmem_shared>>)
    %mul3A_279 = arith.constant 640 : i32
    %mul3A_280 = arith.muli %arg1, %mul3A_279 : i32
    %dma_wait3A_281 = arith.constant 0 : i32
    %dma_wait3A_282 = tpu.memref_slice %arg5[%mul3A_280, %dma_wait3A_281] : memref<10240x128xf32, #tpu.memory_space<vmem_shared>> -> memref<32x128xf32, #tpu.memory_space<vmem_shared>>
    %dma_wait3A_283 = arith.constant 0 : i32
    %dma_wait3A_284 = tpu.memref_slice %arg5[%mul3A_280, %dma_wait3A_283] : memref<10240x128xf32, #tpu.memory_space<vmem_shared>> -> memref<32x128xf32, #tpu.memory_space<vmem_shared>>
    tpu.wait_dma2 semaphore(%arg17 : memref<!tpu.dma_semaphore, #tpu.memory_space<semaphore_mem>>) src(%arg12 : memref<32x128xf32, #tpu.memory_space<vmem>>) dst(%dma_wait3A_284 : memref<32x128xf32, #tpu.memory_space<vmem_shared>>)
    %mul3A_285 = arith.constant 640 : i32
    %mul3A_286 = arith.muli %arg1, %mul3A_285 : i32
    %dma_wait3A_287 = arith.constant 0 : i32
    %dma_wait3A_288 = tpu.memref_slice %arg5[%mul3A_286, %dma_wait3A_287] : memref<10240x128xf32, #tpu.memory_space<vmem_shared>> -> memref<32x128xf32, #tpu.memory_space<vmem_shared>>
    %dma_wait3A_289 = arith.constant 0 : i32
    %dma_wait3A_290 = tpu.memref_slice %arg5[%mul3A_286, %dma_wait3A_289] : memref<10240x128xf32, #tpu.memory_space<vmem_shared>> -> memref<32x128xf32, #tpu.memory_space<vmem_shared>>
    tpu.wait_dma2 semaphore(%arg17 : memref<!tpu.dma_semaphore, #tpu.memory_space<semaphore_mem>>) src(%arg12 : memref<32x128xf32, #tpu.memory_space<vmem>>) dst(%dma_wait3A_290 : memref<32x128xf32, #tpu.memory_space<vmem_shared>>)
    %mul3A_291 = arith.constant 640 : i32
    %mul3A_292 = arith.muli %arg1, %mul3A_291 : i32
    %dma_wait3A_293 = arith.constant 0 : i32
    %dma_wait3A_294 = tpu.memref_slice %arg5[%mul3A_292, %dma_wait3A_293] : memref<10240x128xf32, #tpu.memory_space<vmem_shared>> -> memref<32x128xf32, #tpu.memory_space<vmem_shared>>
    %dma_wait3A_295 = arith.constant 0 : i32
    %dma_wait3A_296 = tpu.memref_slice %arg5[%mul3A_292, %dma_wait3A_295] : memref<10240x128xf32, #tpu.memory_space<vmem_shared>> -> memref<32x128xf32, #tpu.memory_space<vmem_shared>>
    tpu.wait_dma2 semaphore(%arg17 : memref<!tpu.dma_semaphore, #tpu.memory_space<semaphore_mem>>) src(%arg12 : memref<32x128xf32, #tpu.memory_space<vmem>>) dst(%dma_wait3A_296 : memref<32x128xf32, #tpu.memory_space<vmem_shared>>)
    %mul3A_297 = arith.constant 640 : i32
    %mul3A_298 = arith.muli %arg1, %mul3A_297 : i32
    %dma_wait3A_299 = arith.constant 0 : i32
    %dma_wait3A_300 = tpu.memref_slice %arg5[%mul3A_298, %dma_wait3A_299] : memref<10240x128xf32, #tpu.memory_space<vmem_shared>> -> memref<32x128xf32, #tpu.memory_space<vmem_shared>>
    %dma_wait3A_301 = arith.constant 0 : i32
    %dma_wait3A_302 = tpu.memref_slice %arg5[%mul3A_298, %dma_wait3A_301] : memref<10240x128xf32, #tpu.memory_space<vmem_shared>> -> memref<32x128xf32, #tpu.memory_space<vmem_shared>>
    tpu.wait_dma2 semaphore(%arg17 : memref<!tpu.dma_semaphore, #tpu.memory_space<semaphore_mem>>) src(%arg12 : memref<32x128xf32, #tpu.memory_space<vmem>>) dst(%dma_wait3A_302 : memref<32x128xf32, #tpu.memory_space<vmem_shared>>)
    %mul3A_303 = arith.constant 640 : i32
    %mul3A_304 = arith.muli %arg1, %mul3A_303 : i32
    %dma_wait3A_305 = arith.constant 0 : i32
    %dma_wait3A_306 = tpu.memref_slice %arg5[%mul3A_304, %dma_wait3A_305] : memref<10240x128xf32, #tpu.memory_space<vmem_shared>> -> memref<32x128xf32, #tpu.memory_space<vmem_shared>>
    %dma_wait3A_307 = arith.constant 0 : i32
    %dma_wait3A_308 = tpu.memref_slice %arg5[%mul3A_304, %dma_wait3A_307] : memref<10240x128xf32, #tpu.memory_space<vmem_shared>> -> memref<32x128xf32, #tpu.memory_space<vmem_shared>>
    tpu.wait_dma2 semaphore(%arg17 : memref<!tpu.dma_semaphore, #tpu.memory_space<semaphore_mem>>) src(%arg12 : memref<32x128xf32, #tpu.memory_space<vmem>>) dst(%dma_wait3A_308 : memref<32x128xf32, #tpu.memory_space<vmem_shared>>)
    %barrier3A = arith.constant 0 : index
    tpu.barrier barrier_id(%barrier3A)
    %scan3A_309 = arith.constant 0 : i32
    %scan3A_310 = arith.constant 0 : i32
    %scan3A_311 = arith.constant 39 : i32
    %scan3A_312 = arith.addi %scan3A_310, %scan3A_311 : i32
    %scan3A_313 = arith.constant 1 : i32
    scf.for %scan3A_334 = %scan3A_310 to %scan3A_312 step %scan3A_313  : i32 {
      %mul3A_335 = arith.constant 2 : i32
      %mul3A_336 = arith.muli %mul3A_335, %scan3A_334 : i32
      %dma_wait3A_337 = arith.constant 0 : i32
      %dma_wait3A_338 = tpu.memref_slice %arg2[%mul3A_2, %dma_wait3A_337] : memref<320000x128xf32, #tpu.memory_space<hbm>> -> memref<128x128xf32, #tpu.memory_space<hbm>>
      %dma_wait3A_339 = arith.constant 0 : i32
      %dma_wait3A_340 = tpu.memref_slice %arg2[%mul3A_2, %dma_wait3A_339] : memref<320000x128xf32, #tpu.memory_space<hbm>> -> memref<128x128xf32, #tpu.memory_space<hbm>>
      tpu.wait_dma2 semaphore(%arg13 : memref<!tpu.dma_semaphore, #tpu.memory_space<semaphore_mem>>) src(%dma_wait3A_340 : memref<128x128xf32, #tpu.memory_space<hbm>>) dst(%arg6 : memref<128x128xf32, #tpu.memory_space<vmem>>)
      %dma_wait3A_341 = tpu.memref_slice %arg3[%mul3A_2] : memref<320000xi32, #tpu.memory_space<hbm>> -> memref<128xi32, #tpu.memory_space<hbm>>
      %dma_wait3A_342 = tpu.memref_slice %arg3[%mul3A_2] : memref<320000xi32, #tpu.memory_space<hbm>> -> memref<128xi32, #tpu.memory_space<hbm>>
      tpu.wait_dma2 semaphore(%arg15 : memref<!tpu.dma_semaphore, #tpu.memory_space<semaphore_mem>>) src(%dma_wait3A_342 : memref<128xi32, #tpu.memory_space<hbm>>) dst(%arg9 : memref<128xi32, #tpu.memory_space<vmem>>)
      %dma_start3A_343 = arith.constant 0 : i32
      %dma_start3A_344 = arith.constant 0 : i32
      %dma_start3A_345 = tpu.memref_slice %arg5[%dma_start3A_343, %dma_start3A_344] : memref<10240x128xf32, #tpu.memory_space<vmem_shared>> -> memref<10240x128xf32, #tpu.memory_space<vmem_shared>>
      tpu.enqueue_indirect_dma source(%arg6 : memref<128x128xf32, #tpu.memory_space<vmem>>) target(%dma_start3A_345 : memref<10240x128xf32, #tpu.memory_space<vmem_shared>>) offsets(%arg9 : memref<128xi32, #tpu.memory_space<vmem>>) semaphore(%arg17 : memref<!tpu.dma_semaphore, #tpu.memory_space<semaphore_mem>>) {add = true}
      %dma_wait3A_346 = arith.constant 0 : i32
      %dma_wait3A_347 = arith.constant 0 : i32
      %dma_wait3A_348 = tpu.memref_slice %arg5[%dma_wait3A_346, %dma_wait3A_347] : memref<10240x128xf32, #tpu.memory_space<vmem_shared>> -> memref<10240x128xf32, #tpu.memory_space<vmem_shared>>
      tpu.wait_indirect_dma semaphore(%arg17 : memref<!tpu.dma_semaphore, #tpu.memory_space<semaphore_mem>>) src(%arg6 : memref<128x128xf32, #tpu.memory_space<vmem>>) dst(%dma_wait3A_348 : memref<10240x128xf32, #tpu.memory_space<vmem_shared>>)
      %add3A_349 = arith.constant 2 : i32
      %add3A_350 = arith.addi %mul3A_336, %add3A_349 : i32
      %lt3A = arith.constant 78 : i32
      %lt3A_351 = arith.cmpi slt, %add3A_350, %lt3A : i32
      %convert_element_type3A = arith.extui %lt3A_351 : i1 to i32
      %cond3A = arith.constant 0 : i32
      %cond3A_352 = arith.cmpi ne, %convert_element_type3A, %cond3A : i32
      scf.if %cond3A_352 {
        %add3A_372 = arith.constant 2 : i32
        %add3A_373 = arith.addi %mul3A_336, %add3A_372 : i32
        %mul3A_374 = arith.constant 128 : i32
        %mul3A_375 = arith.muli %add3A_373, %mul3A_374 : i32
        %add3A_376 = arith.addi %mul3A_2, %mul3A_375 : i32
        %dma_start3A_377 = arith.constant 0 : i32
        %dma_start3A_378 = tpu.memref_slice %arg2[%add3A_376, %dma_start3A_377] : memref<320000x128xf32, #tpu.memory_space<hbm>> -> memref<128x128xf32, #tpu.memory_space<hbm>>
        %dma_start3A_379 = arith.constant 0 : i32
        %dma_start3A_380 = tpu.memref_slice %arg2[%add3A_376, %dma_start3A_379] : memref<320000x128xf32, #tpu.memory_space<hbm>> -> memref<128x128xf32, #tpu.memory_space<hbm>>
        tpu.enqueue_dma source(%dma_start3A_380 : memref<128x128xf32, #tpu.memory_space<hbm>>) target(%arg6 : memref<128x128xf32, #tpu.memory_space<vmem>>) target_semaphore(%arg13 : memref<!tpu.dma_semaphore, #tpu.memory_space<semaphore_mem>>)
        %dma_start3A_381 = tpu.memref_slice %arg3[%add3A_376] : memref<320000xi32, #tpu.memory_space<hbm>> -> memref<128xi32, #tpu.memory_space<hbm>>
        %dma_start3A_382 = tpu.memref_slice %arg3[%add3A_376] : memref<320000xi32, #tpu.memory_space<hbm>> -> memref<128xi32, #tpu.memory_space<hbm>>
        tpu.enqueue_dma source(%dma_start3A_382 : memref<128xi32, #tpu.memory_space<hbm>>) target(%arg9 : memref<128xi32, #tpu.memory_space<vmem>>) target_semaphore(%arg15 : memref<!tpu.dma_semaphore, #tpu.memory_space<semaphore_mem>>)
      } else {
      }
      %dma_wait3A_353 = arith.constant 0 : i32
      %dma_wait3A_354 = tpu.memref_slice %arg2[%mul3A_2, %dma_wait3A_353] : memref<320000x128xf32, #tpu.memory_space<hbm>> -> memref<128x128xf32, #tpu.memory_space<hbm>>
      %dma_wait3A_355 = arith.constant 0 : i32
      %dma_wait3A_356 = tpu.memref_slice %arg2[%mul3A_2, %dma_wait3A_355] : memref<320000x128xf32, #tpu.memory_space<hbm>> -> memref<128x128xf32, #tpu.memory_space<hbm>>
      tpu.wait_dma2 semaphore(%arg14 : memref<!tpu.dma_semaphore, #tpu.memory_space<semaphore_mem>>) src(%dma_wait3A_356 : memref<128x128xf32, #tpu.memory_space<hbm>>) dst(%arg7 : memref<128x128xf32, #tpu.memory_space<vmem>>)
      %dma_wait3A_357 = tpu.memref_slice %arg3[%mul3A_2] : memref<320000xi32, #tpu.memory_space<hbm>> -> memref<128xi32, #tpu.memory_space<hbm>>
      %dma_wait3A_358 = tpu.memref_slice %arg3[%mul3A_2] : memref<320000xi32, #tpu.memory_space<hbm>> -> memref<128xi32, #tpu.memory_space<hbm>>
      tpu.wait_dma2 semaphore(%arg16 : memref<!tpu.dma_semaphore, #tpu.memory_space<semaphore_mem>>) src(%dma_wait3A_358 : memref<128xi32, #tpu.memory_space<hbm>>) dst(%arg10 : memref<128xi32, #tpu.memory_space<vmem>>)
      %dma_start3A_359 = arith.constant 0 : i32
      %dma_start3A_360 = arith.constant 0 : i32
      %dma_start3A_361 = tpu.memref_slice %arg5[%dma_start3A_359, %dma_start3A_360] : memref<10240x128xf32, #tpu.memory_space<vmem_shared>> -> memref<10240x128xf32, #tpu.memory_space<vmem_shared>>
      tpu.enqueue_indirect_dma source(%arg7 : memref<128x128xf32, #tpu.memory_space<vmem>>) target(%dma_start3A_361 : memref<10240x128xf32, #tpu.memory_space<vmem_shared>>) offsets(%arg10 : memref<128xi32, #tpu.memory_space<vmem>>) semaphore(%arg18 : memref<!tpu.dma_semaphore, #tpu.memory_space<semaphore_mem>>) {add = true}
      %dma_wait3A_362 = arith.constant 0 : i32
      %dma_wait3A_363 = arith.constant 0 : i32
      %dma_wait3A_364 = tpu.memref_slice %arg5[%dma_wait3A_362, %dma_wait3A_363] : memref<10240x128xf32, #tpu.memory_space<vmem_shared>> -> memref<10240x128xf32, #tpu.memory_space<vmem_shared>>
      tpu.wait_indirect_dma semaphore(%arg18 : memref<!tpu.dma_semaphore, #tpu.memory_space<semaphore_mem>>) src(%arg7 : memref<128x128xf32, #tpu.memory_space<vmem>>) dst(%dma_wait3A_364 : memref<10240x128xf32, #tpu.memory_space<vmem_shared>>)
      %add3A_365 = arith.constant 3 : i32
      %add3A_366 = arith.addi %mul3A_336, %add3A_365 : i32
      %lt3A_367 = arith.constant 78 : i32
      %lt3A_368 = arith.cmpi slt, %add3A_366, %lt3A_367 : i32
      %convert_element_type3A_369 = arith.extui %lt3A_368 : i1 to i32
      %cond3A_370 = arith.constant 0 : i32
      %cond3A_371 = arith.cmpi ne, %convert_element_type3A_369, %cond3A_370 : i32
      scf.if %cond3A_371 {
        %add3A_372 = arith.constant 3 : i32
        %add3A_373 = arith.addi %mul3A_336, %add3A_372 : i32
        %mul3A_374 = arith.constant 128 : i32
        %mul3A_375 = arith.muli %add3A_373, %mul3A_374 : i32
        %add3A_376 = arith.addi %mul3A_2, %mul3A_375 : i32
        %dma_start3A_377 = arith.constant 0 : i32
        %dma_start3A_378 = tpu.memref_slice %arg2[%add3A_376, %dma_start3A_377] : memref<320000x128xf32, #tpu.memory_space<hbm>> -> memref<128x128xf32, #tpu.memory_space<hbm>>
        %dma_start3A_379 = arith.constant 0 : i32
        %dma_start3A_380 = tpu.memref_slice %arg2[%add3A_376, %dma_start3A_379] : memref<320000x128xf32, #tpu.memory_space<hbm>> -> memref<128x128xf32, #tpu.memory_space<hbm>>
        tpu.enqueue_dma source(%dma_start3A_380 : memref<128x128xf32, #tpu.memory_space<hbm>>) target(%arg7 : memref<128x128xf32, #tpu.memory_space<vmem>>) target_semaphore(%arg14 : memref<!tpu.dma_semaphore, #tpu.memory_space<semaphore_mem>>)
        %dma_start3A_381 = tpu.memref_slice %arg3[%add3A_376] : memref<320000xi32, #tpu.memory_space<hbm>> -> memref<128xi32, #tpu.memory_space<hbm>>
        %dma_start3A_382 = tpu.memref_slice %arg3[%add3A_376] : memref<320000xi32, #tpu.memory_space<hbm>> -> memref<128xi32, #tpu.memory_space<hbm>>
        tpu.enqueue_dma source(%dma_start3A_382 : memref<128xi32, #tpu.memory_space<hbm>>) target(%arg10 : memref<128xi32, #tpu.memory_space<vmem>>) target_semaphore(%arg16 : memref<!tpu.dma_semaphore, #tpu.memory_space<semaphore_mem>>)
      } else {
      }
    }
    %scan3A_314 = arith.constant 39 : i32
    %dma_wait3A_315 = arith.constant 0 : i32
    %dma_wait3A_316 = tpu.memref_slice %arg2[%add3A_4, %dma_wait3A_315] : memref<320000x128xf32, #tpu.memory_space<hbm>> -> memref<16x128xf32, #tpu.memory_space<hbm>>
    %dma_wait3A_317 = arith.constant 0 : i32
    %dma_wait3A_318 = tpu.memref_slice %arg2[%add3A_4, %dma_wait3A_317] : memref<320000x128xf32, #tpu.memory_space<hbm>> -> memref<16x128xf32, #tpu.memory_space<hbm>>
    tpu.wait_dma2 semaphore(%arg19 : memref<!tpu.dma_semaphore, #tpu.memory_space<semaphore_mem>>) src(%dma_wait3A_318 : memref<16x128xf32, #tpu.memory_space<hbm>>) dst(%arg8 : memref<16x128xf32, #tpu.memory_space<vmem>>)
    %dma_start3A_319 = tpu.memref_slice %arg3[%add3A_4] : memref<320000xi32, #tpu.memory_space<hbm>> -> memref<16xi32, #tpu.memory_space<hbm>>
    %dma_start3A_320 = tpu.memref_slice %arg3[%add3A_4] : memref<320000xi32, #tpu.memory_space<hbm>> -> memref<16xi32, #tpu.memory_space<hbm>>
    tpu.enqueue_dma source(%dma_start3A_320 : memref<16xi32, #tpu.memory_space<hbm>>) target(%arg11 : memref<16xi32, #tpu.memory_space<vmem>>) target_semaphore(%arg19 : memref<!tpu.dma_semaphore, #tpu.memory_space<semaphore_mem>>)
    %dma_wait3A_321 = tpu.memref_slice %arg3[%add3A_4] : memref<320000xi32, #tpu.memory_space<hbm>> -> memref<16xi32, #tpu.memory_space<hbm>>
    %dma_wait3A_322 = tpu.memref_slice %arg3[%add3A_4] : memref<320000xi32, #tpu.memory_space<hbm>> -> memref<16xi32, #tpu.memory_space<hbm>>
    tpu.wait_dma2 semaphore(%arg19 : memref<!tpu.dma_semaphore, #tpu.memory_space<semaphore_mem>>) src(%dma_wait3A_322 : memref<16xi32, #tpu.memory_space<hbm>>) dst(%arg11 : memref<16xi32, #tpu.memory_space<vmem>>)
    %dma_start3A_323 = arith.constant 0 : i32
    %dma_start3A_324 = arith.constant 0 : i32
    %dma_start3A_325 = tpu.memref_slice %arg5[%dma_start3A_323, %dma_start3A_324] : memref<10240x128xf32, #tpu.memory_space<vmem_shared>> -> memref<10240x128xf32, #tpu.memory_space<vmem_shared>>
    tpu.enqueue_indirect_dma source(%arg8 : memref<16x128xf32, #tpu.memory_space<vmem>>) target(%dma_start3A_325 : memref<10240x128xf32, #tpu.memory_space<vmem_shared>>) offsets(%arg11 : memref<16xi32, #tpu.memory_space<vmem>>) semaphore(%arg19 : memref<!tpu.dma_semaphore, #tpu.memory_space<semaphore_mem>>) {add = true}
    %dma_wait3A_326 = arith.constant 0 : i32
    %dma_wait3A_327 = arith.constant 0 : i32
    %dma_wait3A_328 = tpu.memref_slice %arg5[%dma_wait3A_326, %dma_wait3A_327] : memref<10240x128xf32, #tpu.memory_space<vmem_shared>> -> memref<10240x128xf32, #tpu.memory_space<vmem_shared>>
    tpu.wait_indirect_dma semaphore(%arg19 : memref<!tpu.dma_semaphore, #tpu.memory_space<semaphore_mem>>) src(%arg8 : memref<16x128xf32, #tpu.memory_space<vmem>>) dst(%dma_wait3A_328 : memref<10240x128xf32, #tpu.memory_space<vmem_shared>>)
    %barrier3A_329 = arith.constant 0 : index
    tpu.barrier barrier_id(%barrier3A_329)
    %mul3A_330 = arith.constant 640 : i32
    %mul3A_331 = arith.muli %arg1, %mul3A_330 : i32
    %mul3A_332 = arith.constant 640 : i32
    %mul3A_333 = arith.muli %arg1, %mul3A_332 : i32
    "tpu.region"() ({
      %run_scoped3A = tpu.sem_alloc : memref<!tpu.dma_semaphore, #tpu.memory_space<semaphore_mem>>
      %dma_start3A_334 = arith.constant 0 : i32
      %dma_start3A_335 = tpu.memref_slice %arg4[%arg0, %mul3A_333, %dma_start3A_334] : memref<2x10240x128xf32, #tpu.memory_space<hbm>> -> memref<1x640x128xf32, #tpu.memory_space<hbm>>
      %dma_start3A_336 = tpu.memref_squeeze %dma_start3A_335 : memref<1x640x128xf32, #tpu.memory_space<hbm>> -> memref<640x128xf32, #tpu.memory_space<hbm>>
      %dma_start3A_337 = arith.constant 0 : i32
      %dma_start3A_338 = tpu.memref_slice %arg5[%mul3A_331, %dma_start3A_337] : memref<10240x128xf32, #tpu.memory_space<vmem_shared>> -> memref<640x128xf32, #tpu.memory_space<vmem_shared>>
      tpu.enqueue_dma source(%dma_start3A_338 : memref<640x128xf32, #tpu.memory_space<vmem_shared>>) target(%dma_start3A_336 : memref<640x128xf32, #tpu.memory_space<hbm>>) target_semaphore(%run_scoped3A : memref<!tpu.dma_semaphore, #tpu.memory_space<semaphore_mem>>)
      %dma_wait3A_339 = arith.constant 0 : i32
      %dma_wait3A_340 = tpu.memref_slice %arg4[%arg0, %mul3A_333, %dma_wait3A_339] : memref<2x10240x128xf32, #tpu.memory_space<hbm>> -> memref<1x640x128xf32, #tpu.memory_space<hbm>>
      %dma_wait3A_341 = tpu.memref_squeeze %dma_wait3A_340 : memref<1x640x128xf32, #tpu.memory_space<hbm>> -> memref<640x128xf32, #tpu.memory_space<hbm>>
      %dma_wait3A_342 = arith.constant 0 : i32
      %dma_wait3A_343 = tpu.memref_slice %arg5[%mul3A_331, %dma_wait3A_342] : memref<10240x128xf32, #tpu.memory_space<vmem_shared>> -> memref<640x128xf32, #tpu.memory_space<vmem_shared>>
      tpu.wait_dma2 semaphore(%run_scoped3A : memref<!tpu.dma_semaphore, #tpu.memory_space<semaphore_mem>>) src(%dma_wait3A_343 : memref<640x128xf32, #tpu.memory_space<vmem_shared>>) dst(%dma_wait3A_341 : memref<640x128xf32, #tpu.memory_space<hbm>>)
      tpu.yield
    }) : () -> ()
    return
  }
}

module attributes {stable_mosaic.version = 14 : i64} {
  func.func @body(%arg0: memref<2x10240x128xf32, #tpu.memory_space<vmem>>, %arg1: memref<10000x128xf32, #tpu.memory_space<vmem>>) attributes {dimension_semantics = [], scalar_prefetch = 0 : i64, scratch_operands = 0 : i64, tpu.core_type = #tpu.core_type<tc>} {
    %get3A = arith.constant 0 : index
    %get3A_0 = arith.constant 0 : index
    %get3A_1 = arith.constant 0 : index
    %get3A_2 = vector.load %arg0[%get3A, %get3A_0, %get3A_1] : memref<2x10240x128xf32, #tpu.memory_space<vmem>>, vector<1x10000x128xf32>
    %get3A_3 = vector.shape_cast %get3A_2 : vector<1x10000x128xf32> to vector<10000x128xf32>
    %get3A_4 = arith.constant 1 : index
    %get3A_5 = arith.constant 0 : index
    %get3A_6 = arith.constant 0 : index
    %get3A_7 = vector.load %arg0[%get3A_4, %get3A_5, %get3A_6] : memref<2x10240x128xf32, #tpu.memory_space<vmem>>, vector<1x10000x128xf32>
    %get3A_8 = vector.shape_cast %get3A_7 : vector<1x10000x128xf32> to vector<10000x128xf32>
    %add3A = arith.addf %get3A_3, %get3A_8 : vector<10000x128xf32>
    %swap3A = arith.constant 0 : index
    %swap3A_9 = arith.constant 0 : index
    %swap3A_10 = vector.load %arg1[%swap3A, %swap3A_9] : memref<10000x128xf32, #tpu.memory_space<vmem>>, vector<10000x128xf32>
    tpu.vector_store %arg1[%swap3A, %swap3A_9], %add3A {strides = array<i32>} : memref<10000x128xf32, #tpu.memory_space<vmem>>, vector<10000x128xf32>,
    return
  }
}

</mosaic_0001>

<sc_bundles>
// kernel: kernel.4.cloned.1.call-start
scs
__scs_entry_jumppad:
0x0: {  	(pc) =	sbr.rel $0x88, $3  }
0x1: {  	(tag) =	ssettag $0x0;
	lr =	simm.s32 $0x1  }
0x2: {  	[smem:$0x3F9F] =	sst lr;
	_ =	strace $0xD0000000  }
0x3: {  	_ = 	snop  }
0x4: {  	_ = 	snop  }
0x5: {  	_ = 	snop  }
0x6: {  	_ = 	snop  }
0x7: {  	_ = 	snop  }
__scs_overlays_trampoline_lowered:
0x8: {  	[smem:$0x3FAE] =	sst s0  }
0x9: {  	[smem:$0x3FAF] =	sst s1  }
0xa: {  	[smem:$0x3FB0] =	sst s2  }
0xb: {  	[smem:$0x3FB1] =	sst s3  }
0xc: {  	[smem:$0x3FB2] =	sst s4  }
0xd: {  	[smem:$0x3FB3] =	sst s5  }
0xe: {  	[smem:$0x3FB4] =	sst s6  }
0xf: {  	[smem:$0x3FB5] =	sst s7  }
0x10: {  	[smem:$0x3FB6] =	sst s8  }
0x11: {  	[smem:$0x3FB7] =	sst s9;
	s0 =	simm.s32 @!p0 $0x0  }
0x12: {  	s1 =	sld [smem:$0x3F9D];
	s0 =	simm.s32 @p0 $0x1  }
0x13: {  	[smem:$0x3FB8] =	sst s0;
	s0 =	simm.s32 @!p1 $0x0  }
0x14: {  	s2 =	sld [smem:$0x3F9C];
	s0 =	simm.s32 @p1 $0x1  }
0x15: {  	[smem:$0x3FB9] =	sst s0;
	s0 =	simm.s32 @!p2 $0x0  }
0x16: {  	s3 =	sld [smem:$0x3FDB];
	s0 =	simm.s32 @p2 $0x1  }
0x17: {  	s4 =	simm.s32 $0x1BF5;
	[smem:$0x3FBB] =	sst s0  }
0x18: {  	s0 =	sld [smem:$0x3F9E];
	_ =	swait.ge [sflag:s4], $0x0  }
0x19: {  	s7 =	sld [smem:$0x3F9F]  }
0x1a: {  	s8 =	sadd.s32 $0xFFFFE003, lr  }
0x1b: {  	s9 =	sadd.s32 $0xFFFFFEF7, lr;
	s5 =	simm.s32 $0xFFFFFFFF;
	p2 =	slt.u32 s8, $0xFFFFF086  }
0x1c: {  	p1 =	slt.u32 s9, $0xF7A;
	s5 =	simm.s32 @!p2 $0x0  }
0x1d: {  	s5 =	simm.s32 @p1 $0x1;
	p0 =	seq.s32 s7, s2  }
0x1e: {  	s7 =	smul.u32 @!p0 $0xF7A, s2;
	p2 =	seq.s32 @!p0 s5, $0x0  }
0x1f: {  	s9 =	smul.u32 $0xF7A, s1;
	s8 =	simm.s32 @!p0 $0x1BF5;
	p2 =	por !p2, p0  }
0x20: {  	[sflag:s8] =	ssyncset.s32 @!p0 $0xFFFFF086;
	s6 =	sadd.s32 @!p0 s3, s7;
	s7 =	simm.s32 @!p0 $0x108  }
0x21: {  	s3 =	sadd.s32 s3, s9;
	s6 =	sadd.s32 @!p0 $0x88, s6;
	s7 =	simm.s32 @p2 $0x1082  }
0x22: {  	[simem:s7], [sflag:s8] =	dma.local @!p0 [hbm:s6], $0xF7A  }
0x23: {  	s9 =	sor.u32 $0xD0000000, s2;
	s6 =	simm.s32 $0x108;
	_ =	swait.ge @!p0 [sflag:s8], $0x0  }
0x24: {  	s3 =	sadd.s32 $0x88, s3;
	s6 =	simm.s32 @!p1 $0x1082;
	[sflag:s4] =	ssyncset.s32 $0xFFFFF086  }
0x25: {  	[simem:s6], [sflag:s4] =	dma.local [hbm:s3], $0xF7A  }
0x26: {  	[smem:$0x3F9F] =	sst s1;
	(tag) =	ssettag s2;
	_ =	strace s9  }
0x27: {  	s1 =	sld [smem:$0x3FAF]  }
0x28: {  	s2 =	sld [smem:$0x3FB0]  }
0x29: {  	s4 =	sld [smem:$0x3FB2]  }
0x2a: {  	p0 =	seq.s32 s5, $0x0;
	s5 =	sld [smem:$0x3FB3]  }
0x2b: {  	s6 =	sld [smem:$0x3FB4]  }
0x2c: {  	s7 =	sld [smem:$0x3FB5]  }
0x2d: {  	s3 =	simm.s32 $0x108;
	s8 =	sld [smem:$0x3FB6]  }
0x2e: {  	s3 =	simm.s32 @!p0 $0x1082;
	s9 =	sld [smem:$0x3FB7]  }
0x2f: {  	lr =	sadd.s32 s0, s3;
	s0 =	sld [smem:$0x3FAE]  }
0x30: {  	s3 =	sld [smem:$0x3FB1]  }
0x31: {  	[smem:$0x3FBA] =	sst s10  }
0x32: {  	s10 =	sld [smem:$0x3FB8];
	_ =	sdelay $0x3  }
0x33: {  	p0 =	seq.s32 s10, $0x1;
	s10 =	sld [smem:$0x3FBA];
	_ =	sdelay $0x3  }
0x34: {  	[smem:$0x3FBA] =	sst s10  }
0x35: {  	s10 =	sld [smem:$0x3FB9];
	_ =	sdelay $0x3  }
0x36: {  	p1 =	seq.s32 s10, $0x1;
	s10 =	sld [smem:$0x3FBA];
	_ =	sdelay $0x3  }
0x37: {  	[smem:$0x3FBA] =	sst s10  }
0x38: {  	s10 =	sld [smem:$0x3FBB]  }
0x39: {  	_ = 	snop;
	(pc) =	sbr.ind lr, $3  }
0x3a: {  	_ = 	snop  }
0x3b: {  	_ = 	snop  }
0x3c: {  	p2 =	seq.s32 s10, $0x1;
	s10 =	sld [smem:$0x3FBA]  }
0x3d: {  	_ =	shalt  }
0x3e: {  	_ =	shalt  }
0x3f: {  	_ =	shalt  }
0x40: {  	_ =	shalt  }
0x41: {  	_ =	shalt  }
0x42: {  	_ =	shalt  }
0x43: {  	_ =	shalt  }
0x44: {  	_ =	shalt  }
0x45: {  	_ =	shalt  }
0x46: {  	_ =	shalt  }
0x47: {  	_ =	shalt  }
0x48: {  	_ =	shalt  }
0x49: {  	_ =	shalt  }
0x4a: {  	_ =	shalt  }
0x4b: {  	_ =	shalt  }
0x4c: {  	_ =	shalt  }
0x4d: {  	_ =	shalt  }
0x4e: {  	_ =	shalt  }
0x4f: {  	_ =	shalt  }
0x50: {  	_ =	shalt  }
0x51: {  	_ =	shalt  }
0x52: {  	_ =	shalt  }
0x53: {  	_ =	shalt  }
0x54: {  	_ =	shalt  }
0x55: {  	_ =	shalt  }
0x56: {  	_ =	shalt  }
0x57: {  	_ =	shalt  }
0x58: {  	_ =	shalt  }
0x59: {  	_ =	shalt  }
0x5a: {  	_ =	shalt  }
0x5b: {  	_ =	shalt  }
0x5c: {  	_ =	shalt  }
0x5d: {  	_ =	shalt  }
0x5e: {  	_ =	shalt  }
0x5f: {  	_ =	shalt  }
0x60: {  	_ =	shalt  }
0x61: {  	_ =	shalt  }
0x62: {  	_ =	shalt  }
0x63: {  	_ =	shalt  }
0x64: {  	_ =	shalt  }
0x65: {  	_ =	shalt  }
0x66: {  	_ =	shalt  }
0x67: {  	_ =	shalt  }
0x68: {  	_ =	shalt  }
0x69: {  	_ =	shalt  }
0x6a: {  	_ =	shalt  }
0x6b: {  	_ =	shalt  }
0x6c: {  	_ =	shalt  }
0x6d: {  	_ =	shalt  }
0x6e: {  	_ =	shalt  }
0x6f: {  	_ =	shalt  }
0x70: {  	_ =	shalt  }
0x71: {  	_ =	shalt  }
0x72: {  	_ =	shalt  }
0x73: {  	_ =	shalt  }
0x74: {  	_ =	shalt  }
0x75: {  	_ =	shalt  }
0x76: {  	_ =	shalt  }
0x77: {  	_ =	shalt  }
0x78: {  	_ =	shalt  }
0x79: {  	_ =	shalt  }
0x7a: {  	_ =	shalt  }
0x7b: {  	_ =	shalt  }
0x7c: {  	_ =	shalt  }
0x7d: {  	_ =	shalt  }
0x7e: {  	_ =	shalt  }
0x7f: {  	_ =	shalt  }
0x80: {  	_ =	shalt  }
0x81: {  	_ =	shalt  }
0x82: {  	_ =	shalt  }
0x83: {  	_ =	shalt  }
0x84: {  	_ =	shalt  }
0x85: {  	_ =	shalt  }
0x86: {  	_ =	shalt  }
0x87: {  	_ =	shalt  }
.Lfunc_end0:
.L_simem_size_0:
called_computation_lowered:
.L_overlay_start_0:
0x88: {  	s2 =	sld [smem:$0x3FD9]  }
0x89: {  	s3 =	sld [smem:$0x3FFE];
	_ =	sdelay $0x1  }
0x8a: {  	s1 =	srdreg.scid  }
0x8b: {  	s0 =	sand.u32 $0x1, s1  }
0x8c: {  	s17 =	sshll.u32 s0, $0xA;
	s2 =	sadd.s32 s3, s2  }
0x8d: {  	s2 =	sadd.s32 s2, s17  }
0x8e: {  	[smem:$0x3FC6] =	sst s2  }
0x8f: {  	_ = 	snop  }
0x90: {  	s2 =	sld [smem:$0x3FC9]  }
0x91: {  	s18 =	sld [smem:$0x3FC8];
	(tm) =	ssettm $0x1  }
0x92: {  	s4 =	sld [smem:$0x3FFB];
	_ =	sdelay $0x3  }
0x93: {  	_ =	strace s4  }
0x94: {  	s4 =	sld [smem:$0x3FFC];
	_ =	sdelay $0x3  }
0x95: {  	_ =	strace s4  }
0x96: {  	s4 =	sld [smem:$0x3FFD];
	_ =	sdelay $0x3  }
0x97: {  	_ =	strace s4  }
0x98: {  	_ =	strace $0x8FFFFFFF  }
0x99: {  	s19 =	sld [smem:$0x3FDB];
	_ =	sdelay $0x1  }
0x9a: {  	s5 =	simm.s32 $_scs_section_size  }
0x9b: {  	s6 =	simm.s32 $_size__tile_overlayer_lowered;
	s7 =	simm.s32 $_tile_overlayer_lowered  }
0x9c: {  	s22 =	simm.s32 $0x1BFF;
	s21 =	sshll.u32 s7, $0x1;
	s4 =	sadd.s32 s5, s19  }
0x9d: {  	s8 =	simm.s32 $0x0;
	s20 =	sshll.u32 s6, $0x1;
	s6 =	sadd.s32 s21, s4  }
0x9e: {  	[timem:s8], [sflag:s22] =	dma.local [hbm:s6], s20  }
0x9f: {  	_ =	swait.ge [sflag:s22], s20  }
0xa0: {  	s5 =	ssub.s32 $0x0, s20;
	[sflag:s22] =	ssyncset.done $0x0  }
0xa1: {  	[sflag:s22] =	ssyncadd.s32 s5;
	_ =	sdelay $0x1  }
0xa2: {  	s23 =	simm.s32 $0x1B8B  }
0xa3: {  	_ =	swait.ge [sflag:s23], $0x1  }
0xa4: {  	[sflag:s23] =	ssyncset.done $0x0  }
0xa5: {  	s25 =	simm.s32 $0x1B8E;
	s24 =	sld [smem:$0x3FFE];
	[sflag:s23] =	ssyncadd.s32 $0xFFFFFFFF  }
0xa6: {  	s26 =	simm.s32 $execute0_lowered;
	[smem:$0x3FD2] =	sst s25  }
0xa7: {  	s6 =	sshll.u32 s26, $0x1;
	_ =	strace $0x80000046;
	[dreg:$0x1] =	wrdreg $0xFFFFFFFF  }
0xa8: {  	s28 =	simm.s32 $_size_execute0_lowered;
	s4 =	sadd.s32 s4, s6;
	[dreg:$0x0] =	wrdreg $0x0  }
0xa9: {  	s6 =	sshll.u32 s28, $0x1;
	[dreg:$0x2] =	wrdreg s4  }
0xaa: {  	[dreg:$0x3] =	wrdreg s6  }
0xab: {  	[dreg:$0x4] =	wrdreg $0xC0  }
0xac: {  	_ =	task [dreg:s8], $0x5FFFF  }
0xad: {  	[dreg:$0x1] =	wrdreg $0xFFFFFFFF  }
0xae: {  	[dreg:$0x0] =	wrdreg $0x60  }
0xaf: {  	[dreg:$0x2] =	wrdreg s2  }
0xb0: {  	[dreg:$0x3] =	wrdreg s18  }
0xb1: {  	[dreg:$0x4] =	wrdreg s24  }
0xb2: {  	[dreg:$0x5] =	wrdreg $0x0  }
0xb3: {  	[dreg:$0x6] =	wrdreg $0x9  }
0xb4: {  	_ =	task.clear_ibuf [dreg:s8], $0x7FFFF;
	_ =	strace $0x90000046  }
0xb5: {  	s29 =	simm.s32 $0x9;
	_ =	strace $0x80000048  }
0xb6: {  	_ =	swait.ge [sflag:s29], $0x1  }
0xb7: {  	[sflag:s29] =	ssyncadd.s32 $0xFFFFFFFF  }
0xb8: {  	_ =	strace $0x90000048  }
0xb9: {  	_ =	sfence  }
0xba: {  	s30 =	sld [smem:$0x0];
	_ =	sdelay $0x2  }
0xbb: {  	s31 =	sshll.u32 s1, $0xD;
	s1 =	sshrl.u32 s1, $0x2  }
0xbc: {  	s3 =	sand.u32 $0x4000, s31;
	s1 =	sadd.s32 s1, s30  }
0xbd: {  	s0 =	sor.u32 s3, s0;
	s1 =	sshll.u32 s1, $0x11  }
0xbe: {  	s0 =	sor.u32 s1, s0  }
0xbf: {  	s0 =	sadd.s32 $0x8F2B, s0  }
0xc0: {  	[sflag:s0] =	ssyncadd.remote.s32 $0x1  }
0xc1: {  	_ =	sfence.sel $0xFFFF  }
0xc2: {  	[dreg:$0x0] =	wrdreg $0xFFFFFFFF;
	(pc) =	sbr.abs _section_cstart, $3  }
0xc3: {  	[dreg:$0x1] =	wrdreg $0xFFFFFFFF  }
0xc4: {  	_ =	task.clear_ibuf [dreg:s8], $0x2FFFF;
	_ =	strace $0x9FFFFFFF  }
0xc5: {  	(tm) =	ssettm $0x7FFFFFFF  }
tec
execute0_lowered:
.L_overlay_start_1:
0x0: {  	(tag) =	ssettag $0x1  }
0x1: {  	s0 =	rddreg [dreg:$0x0]  }
0x2: {  	s1 =	rddreg [dreg:$0x1];
	s2 =	srdreg.scid  }
0x3: {  	s5 =	rddreg [dreg:$0x2];
	s12 =	stileid.u32  }
0x4: {  	s3 =	rddreg [dreg:$0x3];
	s2 =	sand.u32 $0x1, s2;
	s7 =	smul.u32 $0x14000, s12  }
0x5: {  	s4 =	simm.s32 $0x0;
	s6 =	smul.u32 $0x140000, s2;
	s8 =	sshll.u32 s2, $0x4  }
0x6: {  	[smem:$0x7FF] =	sst s4;
	s17 =	smul.u32 $0x50000, s12;
	s8 =	sor.u32 s12, s8  }
0x7: {  	_ =	strace $0x80000047;
	s6 =	sadd.s32 s7, s6;
	s14 =	smul.u32 $0x2710, s8  }
0x8: {  	s15 =	ssub.s32 $0x2, s2;
	s8 =	smul.u32 $0x27100, s8;
	s6 =	sshrl.u32 s6, $0x3  }
0x9: {  	s9 =	sshrl.u32 s15, $0x1;
	s5 =	sadd.s32 s6, s5;
	s10 =	sadd.s32 $0x2700, s14  }
0xa: {  	s6 =	ssub.s32 s15, s9;
	s8 =	sadd.s32 s0, s8;
	s18 =	sshrl.u32 s14, $0x3  }
0xb: {  	s7 =	sadd.s32 $0x80, s14;
	[dreg:$0x6] =	wrdreg s8;
	s8 =	sadd.s32 s1, s18  }
0xc: {  	s9 =	sshrl.u32 s17, $0x2;
	s5 =	sadd.s32 $0x600, s5;
	[dreg:$0x7] =	wrdreg s8  }
0xd: {  	s11 =	sshll.u32 s10, $0x4;
	s6 =	smax.u32 s6, $0x1;
	[dreg:$0x14] =	wrdreg s5  }
0xe: {  	s19 =	sshll.u32 s7, $0x4;
	s16 =	sadd.s32 s0, s11;
	[dreg:$0x15] =	wrdreg s6  }
0xf: {  	s7 =	sshrl.u32 s7, $0x3;
	s8 =	sadd.s32 s0, s19;
	[dreg:$0x5] =	wrdreg s16  }
0x10: {  	s9 =	sadd.s32 s9, s3;
	s7 =	sadd.s32 s1, s7;
	[dreg:$0x8] =	wrdreg s8  }
0x11: {  	s28 =	simm.s32 $0x8;
	s20 =	sadd.s32 $0x1000, s9;
	[dreg:$0x9] =	wrdreg s7  }
0x12: {  	s29 =	simm.s32 $0x0;
	s21 =	sadd.s32 $0x2000, s9;
	[dreg:$0xa] =	wrdreg s20  }
0x13: {  	s13 =	smul.u32 $0x27100, s12;
	s22 =	sadd.s32 $0x3000, s9;
	[dreg:$0xb] =	wrdreg s21  }
0x14: {  	s24 =	smul.u32 $0x271000, s2;
	s23 =	sadd.s32 $0x4000, s9;
	[dreg:$0xc] =	wrdreg s22  }
0x15: {  	s2 =	smul.u32 $0x27100, s2;
	s25 =	sadd.s32 $0x5000, s9;
	[dreg:$0xd] =	wrdreg s23  }
0x16: {  	s10 =	sshrl.u32 s10, $0x3;
	s26 =	sadd.s32 $0x6000, s9;
	[dreg:$0xe] =	wrdreg s25  }
0x17: {  	s30 =	sadd.s32 $0x7000, s9;
	s31 =	sadd.s32 $0x8000, s9;
	[dreg:$0xf] =	wrdreg s26  }
0x18: {  	s11 =	smul.u32 $0x2710, s12;
	s0 =	sadd.s32 s24, s0;
	[dreg:$0x10] =	wrdreg s30  }
0x19: {  	s14 =	sadd.s32 $0x9000, s9;
	s15 =	sadd.s32 s1, s10;
	[dreg:$0x11] =	wrdreg s31  }
0x1a: {  	s18 =	sadd.s32 $0xA000, s9;
	s19 =	sadd.s32 $0xB000, s9;
	[dreg:$0x12] =	wrdreg s14  }
0x1b: {  	s6 =	sadd.s32 $0x12000, s9;
	s10 =	simm.s32 $0x14000;
	[dreg:$0x13] =	wrdreg s15  }
0x1c: {  	s12 =	simm.s32 $0x18000;
	s0 =	sadd.s32 s13, s0;
	[dreg:$0x16] =	wrdreg s18  }
0x1d: {  	[dreg:$0x17] =	wrdreg s19;
	s20 =	sadd.s32 $0xC000, s9;
	s21 =	sadd.s32 $0xD000, s9  }
0x1e: {  	s22 =	sadd.s32 $0xE000, s9;
	s26 =	sadd.s32 $0xF000, s9;
	s30 =	sadd.s32 $0x10000, s9  }
0x1f: {  	s31 =	sadd.s32 $0x11000, s9;
	s7 =	sadd.s32 $0x13000, s9;
	[dreg:$0x18] =	wrdreg s20  }
0x20: {  	s8 =	simm.s32 $0x1C000;
	s13 =	simm.s32 $0x1C880;
	[dreg:$0x19] =	wrdreg s21  }
0x21: {  	s14 =	simm.s32 $0x1C980;
	s15 =	simm.s32 $0x5;
	[dreg:$0x1a] =	wrdreg s22  }
0x22: {  	s18 =	simm.s32 $0x80;
	s19 =	simm.s32 $0x2;
	[dreg:$0x1b] =	wrdreg s26  }
0x23: {  	s2 =	sadd.s32 s11, s2;
	s23 =	sadd.s32 $0x1800, s0;
	[dreg:$0x1c] =	wrdreg s30  }
0x24: {  	[dreg:$0x1d] =	wrdreg s31;
	s11 =	simm.s32 $0x1C800;
	s20 =	simm.s32 $0x4  }
0x25: {  	s21 =	simm.s32 $0x6;
	s22 =	simm.s32 $0x7;
	s16 =	sadd.s32 $0x180, s2  }
0x26: {  	s26 =	simm.s32 $0x1C900;
	s25 =	sadd.s32 $0x100, s2;
	s17 =	sshrl.u32 s16, $0x3  }
0x27: {  	v0 =	vimm.f32 $0.0e+00;
	s16 =	simm.s32 $0x1;
	s24 =	sadd.s32 s17, s1;
	s17 =	simm.s32 $0x3  }
.LBB2_1:
0x28: {  	s0 =	rddreg [dreg:$0x5]  }
0x29: {  	[tilespmem:s8], [sflag:$0x7] =	stream.linear.gather [hbm4b:s0+s4], $0x800, $0x38;
	[tilespmem:$0x1D980] =	vst v63  }
0x2a: {  	s2 =	rddreg [dreg:$0x6]  }
0x2b: {  	[tilespmem:s10], [sflag:$0x1] =	stream.linear.gather [hbm4b:s2+s4], $0x4000, $0x38;
	[tilespmem:$0x1D980] =	vst v63  }
0x2c: {  	s5 =	rddreg [dreg:$0x7]  }
0x2d: {  	[tilespmem:s11], [sflag:$0x3] =	stream.linear.gather [hbm4b:s5+s4], $0x80, $0x38;
	[tilespmem:$0x1D980] =	vst v63  }
0x2e: {  	s8 =	rddreg [dreg:$0x8]  }
0x2f: {  	[tilespmem:s12], [sflag:$0x2] =	stream.linear.gather [hbm4b:s8+s4], $0x4000, $0x38;
	[tilespmem:$0x1D980] =	vst v63  }
0x30: {  	s31 =	rddreg [dreg:$0x9];
	s30 =	simm.s32 $0x200;
	s2 =	simm.s32 $0x0  }
0x31: {  	[tilespmem:s13], [sflag:$0x4] =	stream.linear.gather [hbm4b:s31+s4], $0x80, $0x38;
	[tilespmem:$0x1D980] =	vst v63  }
.LBB2_2:
0x32: {  	p0 =	sne.s32 s30, $0x3E00;
	[tilespmem:s2+$0x1C9F0] =	vst v0  }
0x33: {  	[tilespmem:s2+$0x1C980] =	vst v0  }
0x34: {  	[tilespmem:s2+$0x1C990] =	vst v0  }
.Ltmp0:
0x35: {  	[tilespmem:s2+$0x1C9A0] =	vst v0;
	(pc) =	sbr.rel @p0 .LBB2_2-.Ltmp0, $4  }
0x36: {  	[tilespmem:s2+$0x1C9B0] =	vst v0  }
0x37: {  	[tilespmem:s2+$0x1C9C0] =	vst v0  }
0x38: {  	[tilespmem:s2+$0x1C9D0] =	vst v0  }
0x39: {  	[tilespmem:s2+$0x1C9E0] =	vst v0;
	s2 =	sshra.s32 s30, $0x2;
	s30 =	sadd.s32 $0x200, s30  }
0x3a: {  	[tilespmem:s2+$0x1C9F0] =	vst v0  }
0x3b: {  	[tilespmem:s2+$0x1C980] =	vst v0  }
0x3c: {  	[tilespmem:s2+$0x1C990] =	vst v0  }
0x3d: {  	[tilespmem:s2+$0x1C9A0] =	vst v0  }
0x3e: {  	[tilespmem:s2+$0x1C9B0] =	vst v0  }
0x3f: {  	[tilespmem:s2+$0x1C9C0] =	vst v0  }
0x40: {  	[tilespmem:s2+$0x1C9D0] =	vst v0  }
0x41: {  	[tilespmem:s2+$0x1C9E0] =	vst v0  }
0x42: {  	[spmem:s9] =	stream.linear.scatter [tilespmem:s14], [sflag:$0x5], $0x1000, $0x38;
	[tilespmem:$0x1D980] =	vst v63  }
0x43: {  	s0 =	rddreg [dreg:$0xa]  }
0x44: {  	[spmem:s0] =	stream.linear.scatter [tilespmem:s14], [sflag:$0x5], $0x1000, $0x38;
	[tilespmem:$0x1D980] =	vst v63  }
0x45: {  	s2 =	rddreg [dreg:$0xb]  }
0x46: {  	[spmem:s2] =	stream.linear.scatter [tilespmem:s14], [sflag:$0x5], $0x1000, $0x38;
	[tilespmem:$0x1D980] =	vst v63  }
0x47: {  	s5 =	rddreg [dreg:$0xc]  }
0x48: {  	[spmem:s5] =	stream.linear.scatter [tilespmem:s14], [sflag:$0x5], $0x1000, $0x38;
	[tilespmem:$0x1D980] =	vst v63  }
0x49: {  	s8 =	rddreg [dreg:$0xd]  }
0x4a: {  	[spmem:s8] =	stream.linear.scatter [tilespmem:s14], [sflag:$0x5], $0x1000, $0x38;
	[tilespmem:$0x1D980] =	vst v63  }
0x4b: {  	s2 =	rddreg [dreg:$0xe]  }
0x4c: {  	[spmem:s2] =	stream.linear.scatter [tilespmem:s14], [sflag:$0x5], $0x1000, $0x38;
	[tilespmem:$0x1D980] =	vst v63  }
0x4d: {  	s5 =	rddreg [dreg:$0xf]  }
0x4e: {  	[spmem:s5] =	stream.linear.scatter [tilespmem:s14], [sflag:$0x5], $0x1000, $0x38;
	[tilespmem:$0x1D980] =	vst v63  }
0x4f: {  	s8 =	rddreg [dreg:$0x10]  }
0x50: {  	[spmem:s8] =	stream.linear.scatter [tilespmem:s14], [sflag:$0x5], $0x1000, $0x38;
	[tilespmem:$0x1D980] =	vst v63  }
0x51: {  	s2 =	rddreg [dreg:$0x11]  }
0x52: {  	[spmem:s2] =	stream.linear.scatter [tilespmem:s14], [sflag:$0x5], $0x1000, $0x38;
	[tilespmem:$0x1D980] =	vst v63  }
0x53: {  	s5 =	rddreg [dreg:$0x12]  }
0x54: {  	[spmem:s5] =	stream.linear.scatter [tilespmem:s14], [sflag:$0x5], $0x1000, $0x38;
	[tilespmem:$0x1D980] =	vst v63  }
0x55: {  	s8 =	rddreg [dreg:$0x16]  }
0x56: {  	[spmem:s8] =	stream.linear.scatter [tilespmem:s14], [sflag:$0x5], $0x1000, $0x38;
	[tilespmem:$0x1D980] =	vst v63  }
0x57: {  	s2 =	rddreg [dreg:$0x17]  }
0x58: {  	[spmem:s2] =	stream.linear.scatter [tilespmem:s14], [sflag:$0x5], $0x1000, $0x38;
	[tilespmem:$0x1D980] =	vst v63  }
0x59: {  	s5 =	rddreg [dreg:$0x18]  }
0x5a: {  	[spmem:s5] =	stream.linear.scatter [tilespmem:s14], [sflag:$0x5], $0x1000, $0x38;
	[tilespmem:$0x1D980] =	vst v63  }
0x5b: {  	s8 =	rddreg [dreg:$0x19]  }
0x5c: {  	[spmem:s8] =	stream.linear.scatter [tilespmem:s14], [sflag:$0x5], $0x1000, $0x38;
	[tilespmem:$0x1D980] =	vst v63  }
0x5d: {  	s2 =	rddreg [dreg:$0x1a]  }
0x5e: {  	[spmem:s2] =	stream.linear.scatter [tilespmem:s14], [sflag:$0x5], $0x1000, $0x38;
	[tilespmem:$0x1D980] =	vst v63  }
0x5f: {  	s5 =	rddreg [dreg:$0x1b]  }
0x60: {  	[spmem:s5] =	stream.linear.scatter [tilespmem:s14], [sflag:$0x5], $0x1000, $0x38;
	[tilespmem:$0x1D980] =	vst v63  }
0x61: {  	s8 =	rddreg [dreg:$0x1c]  }
0x62: {  	[spmem:s8] =	stream.linear.scatter [tilespmem:s14], [sflag:$0x5], $0x1000, $0x38;
	[tilespmem:$0x1D980] =	vst v63  }
0x63: {  	s2 =	rddreg [dreg:$0x1d]  }
0x64: {  	[spmem:s2] =	stream.linear.scatter [tilespmem:s14], [sflag:$0x5], $0x1000, $0x38;
	[tilespmem:$0x1D980] =	vst v63  }
0x65: {  	_ = 	snop  }
0x66: {  	[spmem:s6] =	stream.linear.scatter [tilespmem:s14], [sflag:$0x5], $0x1000, $0x38;
	[tilespmem:$0x1D980] =	vst v63  }
0x67: {  	_ = 	snop  }
0x68: {  	[spmem:s7] =	stream.linear.scatter [tilespmem:s14], [sflag:$0x5], $0x1000, $0x38;
	[tilespmem:$0x1D980] =	vst v63  }
0x69: {  	_ =	swait.ge [sflag:s15], $0x1000  }
0x6a: {  	[sflag:s15] =	ssyncset.done $0x0  }
0x6b: {  	[sflag:s15] =	ssyncadd.s32 $0xFFFFF000  }
0x6c: {  	_ =	swait.ge [sflag:s15], $0x1000  }
0x6d: {  	[sflag:s15] =	ssyncset.done $0x0  }
0x6e: {  	[sflag:s15] =	ssyncadd.s32 $0xFFFFF000  }
0x6f: {  	_ =	swait.ge [sflag:s15], $0x1000  }
0x70: {  	[sflag:s15] =	ssyncset.done $0x0  }
0x71: {  	[sflag:s15] =	ssyncadd.s32 $0xFFFFF000  }
0x72: {  	_ =	swait.ge [sflag:s15], $0x1000  }
0x73: {  	[sflag:s15] =	ssyncset.done $0x0  }
0x74: {  	[sflag:s15] =	ssyncadd.s32 $0xFFFFF000  }
0x75: {  	_ =	swait.ge [sflag:s15], $0x1000  }
0x76: {  	[sflag:s15] =	ssyncset.done $0x0  }
0x77: {  	[sflag:s15] =	ssyncadd.s32 $0xFFFFF000  }
0x78: {  	_ =	swait.ge [sflag:s15], $0x1000  }
0x79: {  	[sflag:s15] =	ssyncset.done $0x0  }
0x7a: {  	[sflag:s15] =	ssyncadd.s32 $0xFFFFF000  }
0x7b: {  	_ =	swait.ge [sflag:s15], $0x1000  }
0x7c: {  	[sflag:s15] =	ssyncset.done $0x0  }
0x7d: {  	[sflag:s15] =	ssyncadd.s32 $0xFFFFF000  }
0x7e: {  	_ =	swait.ge [sflag:s15], $0x1000  }
0x7f: {  	[sflag:s15] =	ssyncset.done $0x0  }
0x80: {  	[sflag:s15] =	ssyncadd.s32 $0xFFFFF000  }
0x81: {  	_ =	swait.ge [sflag:s15], $0x1000  }
0x82: {  	[sflag:s15] =	ssyncset.done $0x0  }
0x83: {  	[sflag:s15] =	ssyncadd.s32 $0xFFFFF000  }
0x84: {  	_ =	swait.ge [sflag:s15], $0x1000  }
0x85: {  	[sflag:s15] =	ssyncset.done $0x0  }
0x86: {  	[sflag:s15] =	ssyncadd.s32 $0xFFFFF000  }
0x87: {  	_ =	swait.ge [sflag:s15], $0x1000  }
0x88: {  	[sflag:s15] =	ssyncset.done $0x0  }
0x89: {  	[sflag:s15] =	ssyncadd.s32 $0xFFFFF000  }
0x8a: {  	_ =	swait.ge [sflag:s15], $0x1000  }
0x8b: {  	[sflag:s15] =	ssyncset.done $0x0  }
0x8c: {  	[sflag:s15] =	ssyncadd.s32 $0xFFFFF000  }
0x8d: {  	_ =	swait.ge [sflag:s15], $0x1000  }
0x8e: {  	[sflag:s15] =	ssyncset.done $0x0  }
0x8f: {  	[sflag:s15] =	ssyncadd.s32 $0xFFFFF000  }
0x90: {  	_ =	swait.ge [sflag:s15], $0x1000  }
0x91: {  	[sflag:s15] =	ssyncset.done $0x0  }
0x92: {  	[sflag:s15] =	ssyncadd.s32 $0xFFFFF000  }
0x93: {  	_ =	swait.ge [sflag:s15], $0x1000  }
0x94: {  	[sflag:s15] =	ssyncset.done $0x0  }
0x95: {  	[sflag:s15] =	ssyncadd.s32 $0xFFFFF000  }
0x96: {  	_ =	swait.ge [sflag:s15], $0x1000  }
0x97: {  	[sflag:s15] =	ssyncset.done $0x0  }
0x98: {  	[sflag:s15] =	ssyncadd.s32 $0xFFFFF000  }
0x99: {  	_ =	swait.ge [sflag:s15], $0x1000  }
0x9a: {  	[sflag:s15] =	ssyncset.done $0x0  }
0x9b: {  	[sflag:s15] =	ssyncadd.s32 $0xFFFFF000  }
0x9c: {  	_ =	swait.ge [sflag:s15], $0x1000  }
0x9d: {  	[sflag:s15] =	ssyncset.done $0x0  }
0x9e: {  	[sflag:s15] =	ssyncadd.s32 $0xFFFFF000  }
0x9f: {  	_ =	swait.ge [sflag:s15], $0x1000  }
0xa0: {  	[sflag:s15] =	ssyncset.done $0x0  }
0xa1: {  	[sflag:s15] =	ssyncadd.s32 $0xFFFFF000  }
0xa2: {  	_ =	swait.ge [sflag:s15], $0x1000  }
0xa3: {  	[sflag:s15] =	ssyncset.done $0x0  }
0xa4: {  	[sflag:s15] =	ssyncadd.s32 $0xFFFFF000  }
0xa5: {  	[bflag:$0x0] =	sbarrier.arrive $0xFFFF  }
0xa6: {  	_ =	swait.ge [sflag:s16], $0x4000  }
0xa7: {  	[sflag:s16] =	ssyncset.done $0x0  }
0xa8: {  	[sflag:s16] =	ssyncadd.s32 $0xFFFFC000  }
0xa9: {  	_ =	swait.ge [sflag:s17], $0x80  }
0xaa: {  	[sflag:s17] =	ssyncset.done $0x0  }
0xab: {  	[sflag:s17] =	ssyncadd.s32 $0xFFFFFF80  }
0xac: {  	[spmem:s3] =	stream.indirect.scatter.add.f32 [tilespmem:s10], [sflag:$0x5], $0x80, s11, s18, $0xb8;
	[tilespmem:$0x1D980] =	vst v63  }
0xad: {  	_ =	swait.ge [sflag:s15], $0x4000  }
0xae: {  	[sflag:s15] =	ssyncset.done $0x0  }
0xaf: {  	s5 =	sadd.s32 $0xFFFFF800, s23;
	s8 =	sshrl.u32 s25, $0x3;
	[sflag:s15] =	ssyncadd.s32 $0xFFFFC000  }
0xb0: {  	[tilespmem:s10], [sflag:$0x1] =	stream.linear.gather [hbm4b:s5+s4], $0x4000, $0x38;
	[tilespmem:$0x1D980] =	vst v63  }
0xb1: {  	s8 =	sadd.s32 s1, s8  }
0xb2: {  	[tilespmem:s11], [sflag:$0x3] =	stream.linear.gather [hbm4b:s8+s4], $0x80, $0x38;
	[tilespmem:$0x1D980] =	vst v63  }
0xb3: {  	_ =	swait.ge [sflag:s19], $0x4000  }
0xb4: {  	[sflag:s19] =	ssyncset.done $0x0  }
0xb5: {  	[sflag:s19] =	ssyncadd.s32 $0xFFFFC000  }
0xb6: {  	_ =	swait.ge [sflag:s20], $0x80  }
0xb7: {  	[sflag:s20] =	ssyncset.done $0x0  }
0xb8: {  	[sflag:s20] =	ssyncadd.s32 $0xFFFFFF80  }
0xb9: {  	[spmem:s3] =	stream.indirect.scatter.add.f32 [tilespmem:s12], [sflag:$0x6], $0x80, s13, s18, $0xb8;
	[tilespmem:$0x1D980] =	vst v63  }
0xba: {  	_ =	swait.ge [sflag:s21], $0x4000  }
0xbb: {  	s30 =	simm.s32 $0x20;
	s31 =	sadd.s32 $0x1000, s23;
	[sflag:s21] =	ssyncset.done $0x0  }
0xbc: {  	s2 =	sadd.s32 $0x100, s25;
	s8 =	sadd.s32 $0x0, s24;
	[sflag:s21] =	ssyncadd.s32 $0xFFFFC000  }
0xbd: {  	[tilespmem:s12], [sflag:$0x2] =	stream.linear.gather [hbm4b:s23+s4], $0x4000, $0x38;
	[tilespmem:$0x1D980] =	vst v63  }
.LBB2_4:
0xbe: {  	[tilespmem:s13], [sflag:$0x4] =	stream.linear.gather [hbm4b:s8+s4], $0x80, $0x38;
	[tilespmem:$0x1D980] =	vst v63  }
0xbf: {  	s8 =	smov.u32 s30  }
0xc0: {  	p0 =	sne.s32 s30, $0x4A0;
	s30 =	sadd.s32 $0x20, s30;
	_ =	swait.ge [sflag:s16], $0x4000  }
0xc1: {  	[sflag:s16] =	ssyncset.done $0x0  }
0xc2: {  	[sflag:s16] =	ssyncadd.s32 $0xFFFFC000  }
0xc3: {  	_ =	swait.ge [sflag:s17], $0x80  }
0xc4: {  	[sflag:s17] =	ssyncset.done $0x0  }
0xc5: {  	[sflag:s17] =	ssyncadd.s32 $0xFFFFFF80  }
0xc6: {  	[spmem:s3] =	stream.indirect.scatter.add.f32 [tilespmem:s10], [sflag:$0x5], $0x80, s11, s18, $0xb8;
	[tilespmem:$0x1D980] =	vst v63  }
0xc7: {  	_ =	swait.ge [sflag:s15], $0x4000  }
0xc8: {  	[sflag:s15] =	ssyncset.done $0x0  }
0xc9: {  	s0 =	sadd.s32 $0xFFFFF800, s31;
	s5 =	sshrl.u32 s2, $0x3;
	[sflag:s15] =	ssyncadd.s32 $0xFFFFC000  }
0xca: {  	[tilespmem:s10], [sflag:$0x1] =	stream.linear.gather [hbm4b:s0+s4], $0x4000, $0x38;
	[tilespmem:$0x1D980] =	vst v63  }
0xcb: {  	s0 =	sadd.s32 s1, s5  }
0xcc: {  	[tilespmem:s11], [sflag:$0x3] =	stream.linear.gather [hbm4b:s0+s4], $0x80, $0x38;
	[tilespmem:$0x1D980] =	vst v63  }
0xcd: {  	_ =	swait.ge [sflag:s19], $0x4000  }
0xce: {  	[sflag:s19] =	ssyncset.done $0x0  }
0xcf: {  	[sflag:s19] =	ssyncadd.s32 $0xFFFFC000  }
0xd0: {  	_ =	swait.ge [sflag:s20], $0x80  }
0xd1: {  	[sflag:s20] =	ssyncset.done $0x0  }
0xd2: {  	[sflag:s20] =	ssyncadd.s32 $0xFFFFFF80  }
0xd3: {  	[spmem:s3] =	stream.indirect.scatter.add.f32 [tilespmem:s12], [sflag:$0x6], $0x80, s13, s18, $0xb8;
	[tilespmem:$0x1D980] =	vst v63  }
.Ltmp1:
0xd4: {  	_ =	swait.ge [sflag:s21], $0x4000;
	(pc) =	sbr.rel @p0 .LBB2_4-.Ltmp1, $4  }
0xd5: {  	[sflag:s21] =	ssyncset.done $0x0  }
0xd6: {  	[sflag:s21] =	ssyncadd.s32 $0xFFFFC000  }
0xd7: {  	[tilespmem:s12], [sflag:$0x2] =	stream.linear.gather [hbm4b:s31+s4], $0x4000, $0x38;
	[tilespmem:$0x1D980] =	vst v63  }
0xd8: {  	s2 =	sadd.s32 $0x100, s2;
	s8 =	sadd.s32 s8, s24;
	s31 =	sadd.s32 $0x1000, s31  }
0xd9: {  	[tilespmem:s13], [sflag:$0x4] =	stream.linear.gather [hbm4b:s8+s4], $0x80, $0x38;
	[tilespmem:$0x1D980] =	vst v63  }
0xda: {  	_ =	swait.ge [sflag:s16], $0x4000  }
0xdb: {  	[sflag:s16] =	ssyncset.done $0x0  }
0xdc: {  	[sflag:s16] =	ssyncadd.s32 $0xFFFFC000  }
0xdd: {  	_ =	swait.ge [sflag:s17], $0x80  }
0xde: {  	[sflag:s17] =	ssyncset.done $0x0  }
0xdf: {  	[sflag:s17] =	ssyncadd.s32 $0xFFFFFF80  }
0xe0: {  	[spmem:s3] =	stream.indirect.scatter.add.f32 [tilespmem:s10], [sflag:$0x5], $0x80, s11, s18, $0xb8;
	[tilespmem:$0x1D980] =	vst v63  }
0xe1: {  	_ =	swait.ge [sflag:s15], $0x4000  }
0xe2: {  	[sflag:s15] =	ssyncset.done $0x0  }
0xe3: {  	[sflag:s15] =	ssyncadd.s32 $0xFFFFC000  }
0xe4: {  	_ =	swait.ge [sflag:s19], $0x4000  }
0xe5: {  	[sflag:s19] =	ssyncset.done $0x0  }
0xe6: {  	[sflag:s19] =	ssyncadd.s32 $0xFFFFC000  }
0xe7: {  	_ =	swait.ge [sflag:s20], $0x80  }
0xe8: {  	[sflag:s20] =	ssyncset.done $0x0  }
0xe9: {  	[sflag:s20] =	ssyncadd.s32 $0xFFFFFF80  }
0xea: {  	[spmem:s3] =	stream.indirect.scatter.add.f32 [tilespmem:s12], [sflag:$0x6], $0x80, s13, s18, $0xb8;
	[tilespmem:$0x1D980] =	vst v63  }
0xeb: {  	_ =	swait.ge [sflag:s21], $0x4000  }
0xec: {  	[sflag:s21] =	ssyncset.done $0x0  }
0xed: {  	[sflag:s21] =	ssyncadd.s32 $0xFFFFC000  }
0xee: {  	_ =	swait.ge [sflag:s22], $0x800  }
0xef: {  	[sflag:s22] =	ssyncset.done $0x0  }
0xf0: {  	s0 =	rddreg [dreg:$0x13];
	[sflag:s22] =	ssyncadd.s32 $0xFFFFF800  }
0xf1: {  	[tilespmem:s26], [sflag:$0x7] =	stream.linear.gather [hbm4b:s0+s4], $0x10, $0x38;
	[tilespmem:$0x1D980] =	vst v63  }
0xf2: {  	_ =	swait.ge [sflag:s22], $0x10  }
0xf3: {  	[sflag:s22] =	ssyncset.done $0x0  }
0xf4: {  	s8 =	simm.s32 $0x1C000;
	s5 =	simm.s32 $0x10;
	[sflag:s22] =	ssyncadd.s32 $0xFFFFFFF0  }
0xf5: {  	[spmem:s3] =	stream.indirect.scatter.add.f32 [tilespmem:s8], [sflag:$0x7], $0x80, s26, s5, $0xb8;
	[tilespmem:$0x1D980] =	vst v63  }
0xf6: {  	_ =	swait.ge [sflag:s22], $0x800  }
0xf7: {  	[sflag:s22] =	ssyncset.done $0x0  }
0xf8: {  	s30 =	stileid.u32;
	[sflag:s22] =	ssyncadd.s32 $0xFFFFF800  }
0xf9: {  	s0 =	sshll.u32 s30, $0x6;
	[bflag:$0x0] =	sbarrier.arrive $0xFFFF  }
0xfa: {  	s2 =	sshrl.u32 s9, $0x3;
	s0 =	sor.u32 $0x1C08, s0;
	s5 =	rddreg [dreg:$0x14]  }
0xfb: {  	[hbm:s5], [sflag:s0] =	dma.local [spmem:s2], $0x2800  }
0xfc: {  	_ =	swait.ge [sflag:s28], $0x2800  }
0xfd: {  	s29 =	sadd.s32 $0x1, s29;
	s31 =	rddreg [dreg:$0x15]  }
0xfe: {  	p0 =	sne.s32 s29, s31  }
.Ltmp2:
0xff: {  	_ = 	snop;
	(pc) =	sbr.rel @p0 .LBB2_1-.Ltmp2, $3  }
0x100: {  	_ =	sdelay $0x1  }
0x101: {  	[sflag:s28] =	ssyncset.done $0x0  }
0x102: {  	[sflag:s28] =	ssyncadd.s32 $0xFFFFD800  }
0x103: {  	_ =	sfence.sel $0x180000  }
0x104: {  	[bflag:$0x0] =	sbarrier.arrive $0xFFFF  }
0x105: {  	_ =	strace $0x90000047  }
0x106: {  	s0 =	stileid.u32;
	[bflag:$0x2] =	sbarrier.arrive $0xFFFF  }
0x107: {  	p0 =	sne.s32 s0, $0x0;
	s0 =	rddreg [dreg:$0x4]  }
0x108: {  	s0 =	sadd.s32 @!p0 $0x100000, s0  }
0x109: {  	[sflag:s0] =	ssyncadd.tile.s32 @!p0 $0x1;
	_ =	shalt  }
.Lfunc_end2:
_tile_overlayer_lowered:
.L_overlay_start_2:
0x10a: {  	(tag) =	ssettag $0x2  }
0x10b: {  	s0 =	rddreg [dreg:$0x0];
	s2 =	stileid.u32  }
0x10c: {  	s1 =	rddreg [dreg:$0x1];
	p0 =	sne.s32 s2, $0x0  }
0x10d: {  	s3 =	rddreg [dreg:$0x2];
	[bflag:$0x3] =	sbarrier.arrive $0xFFFF;
	s2 =	simm.s32 @!p0 $0x1C08  }
0x10e: {  	[timem:s3], [sflag:s2] =	dma.local @!p0 [hbm:s0], s1  }
0x10f: {  	s0 =	simm.s32 @!p0 $0x8  }
0x110: {  	_ =	swait.ge @!p0 [sflag:s0], s1  }
0x111: {  	s1 =	ssub.s32 @!p0 $0x0, s1;
	[sflag:s0] =	ssyncset.done @!p0 $0x0  }
0x112: {  	[sflag:s0] =	ssyncadd.s32 @!p0 s1  }
0x113: {  	[bflag:$0x3] =	sbarrier.arrive $0xFFFF  }
0x114: {  	_ =	shalt  }

</sc_bundles>
